<compile_context>
chip_gen: v7x
topology: tpu7x:2x2x1
jax: 0.10.2.dev20260603
libtpu: 0.0.44.dev20260713+nightly
codegen_flags: <defaults>
</compile_context>

<pallas_src>
import functools

import jax
import jax.numpy as jnp
from jax import lax
from jax.experimental import pallas as pl
from jax.experimental.pallas import tpu as pltpu
from jax.experimental.pallas import tpu_sc as plsc

_B = 4
_V = 20000
_F = 40000
_P = 12
_L = 8192
_NBINS = 512
_CH = 160
_VP = _CH * 128
_BIGI = 2 ** 30


def _view_kernel(ctr_ref, elen_ref, xy_ref, bins_ref, em_ref, acc_ref,
                 bins_s, r_s):
    p = pl.program_id(1)

    x = xy_ref[0, 0, 0, :, :]
    y = xy_ref[0, 0, 1, :, :]
    cx = ctr_ref[0, 0, 0, p]
    cy = ctr_ref[0, 0, 1, p]
    rx = x - cx
    ry = y - cy
    r_s[...] = rx * rx + ry * ry
    bins_s[...] = bins_ref[0, 0, :, :]

    binid = lax.broadcasted_iota(jnp.int32, (_NBINS, 128), 0)
    lane = lax.broadcasted_iota(jnp.int32, (1, 128), 1)

    def sweep(ch, carry):
        gmax, gsel, gx, gy = carry
        brow = bins_s[pl.ds(ch, 1), :]
        rrow = r_s[pl.ds(ch, 1), :]
        xrow = xy_ref[0, 0, 0, pl.ds(ch, 1), :]
        yrow = xy_ref[0, 0, 1, pl.ds(ch, 1), :]
        lidx = ch * 128 + lane
        mask = binid == brow
        rb = jnp.where(mask, rrow, -2.0)
        cmax = jnp.max(rb, axis=1, keepdims=True)
        elig = mask & (rrow == cmax)
        cand = jnp.where(elig, lidx, _BIGI)
        csel = jnp.min(cand, axis=1, keepdims=True)
        winner = elig & (lidx == csel)
        cwx = jnp.sum(jnp.where(winner, xrow, 0.0), axis=1, keepdims=True)
        cwy = jnp.sum(jnp.where(winner, yrow, 0.0), axis=1, keepdims=True)
        take = (cmax > gmax) | ((cmax == gmax) & (csel < gsel))
        gmax = jnp.where(take, cmax, gmax)
        gsel = jnp.where(take, csel, gsel)
        gx = jnp.where(take, cwx, gx)
        gy = jnp.where(take, cwy, gy)
        return gmax, gsel, gx, gy

    init = (jnp.full((_NBINS, 1), -1.0, jnp.float32),
            jnp.full((_NBINS, 1), _BIGI, jnp.int32),
            jnp.zeros((_NBINS, 1), jnp.float32),
            jnp.zeros((_NBINS, 1), jnp.float32))
    gmax, gsel, gx, gy = lax.fori_loop(0, _CH, sweep, init)
    valid = gmax >= 0.0

    ylen = elen_ref[0, 0, p]
    ex = em_ref[0, 0, 0:1, :]
    ey = em_ref[0, 0, 1:2, :]
    ccols = 1024
    rminv = jnp.full((_NBINS, ccols), jnp.inf, jnp.float32)
    colbase = lax.broadcasted_iota(jnp.int32, (1, ccols), 1)
    gxb = gx.astype(jnp.bfloat16).astype(jnp.float32)
    gyb = gy.astype(jnp.bfloat16).astype(jnp.float32)
    xx = gx * gx + gy * gy
    for cc in range(_L // ccols):
        exc = ex[:, cc * ccols:(cc + 1) * ccols]
        eyc = ey[:, cc * ccols:(cc + 1) * ccols]
        exb = exc.astype(jnp.bfloat16).astype(jnp.float32)
        eyb = eyc.astype(jnp.bfloat16).astype(jnp.float32)
        yyc = exc * exc + eyc * eyc
        s = gxb * exb + gyb * eyb
        d = (xx + yyc) - 2.0 * s
        d = jnp.where(colbase + (cc * ccols) < ylen, d, jnp.inf)
        rminv = jnp.minimum(rminv, d)

    rmin = jnp.min(rminv, axis=1, keepdims=True)
    mind = jnp.where(valid, rmin, 0.0)
    s = jnp.sum(mind)
    blen = jnp.sum(valid.astype(jnp.float32))
    pv = s / jnp.maximum(blen, 1.0)

    @pl.when(p == 0)
    def _():
        acc_ref[...] = jnp.zeros((1, 8, 128), jnp.float32)

    acc_ref[...] += jnp.full((1, 8, 128), pv * (1.0 / _P), jnp.float32)


def _host_prep(xs, projmat):
    ones = jnp.ones((_B, _V, 1), dtype=xs.dtype)
    homog = jnp.concatenate([xs, ones], axis=-1)
    proj = jnp.einsum('pij,bvj->bpvi', projmat, homog)
    xy = proj[..., :2] / proj[..., 2:3]
    c = jnp.mean(xy, axis=2)
    rel = xy - c[:, :, None, :]
    theta = jnp.arctan2(rel[..., 1], rel[..., 0])
    bins = jnp.clip(((theta + jnp.pi) / (2.0 * jnp.pi) * _NBINS).astype(jnp.int32),
                    0, _NBINS - 1)
    bins = jnp.pad(bins, ((0, 0), (0, 0), (0, _VP - _V)), constant_values=-1)
    bins = bins.reshape(_B, _P, _CH, 128)
    xyp = jnp.transpose(xy, (0, 1, 3, 2))
    xyp = jnp.pad(xyp, ((0, 0), (0, 0), (0, 0), (0, _VP - _V)))
    xyp = xyp.reshape(_B, _P, 2, _CH, 128)
    ctr = jnp.transpose(c, (0, 2, 1)).reshape(_B, 1, 2, _P)
    return xyp, bins, ctr


def _chamfer_tc(xs, projmat, edgemaps, edgemaps_len):
    xyp, bins, ctr = _host_prep(xs, projmat)
    em_planar = jnp.transpose(edgemaps, (0, 1, 3, 2))

    acc = pl.pallas_call(
        _view_kernel,
        grid=(_B, _P),
        in_specs=[
            pl.BlockSpec((1, 1, 2, _P), lambda b, p: (b, 0, 0, 0),
                         memory_space=pltpu.SMEM),
            pl.BlockSpec((1, 1, _P), lambda b, p: (b, 0, 0),
                         memory_space=pltpu.SMEM),
            pl.BlockSpec((1, 1, 2, _CH, 128), lambda b, p: (b, p, 0, 0, 0)),
            pl.BlockSpec((1, 1, _CH, 128), lambda b, p: (b, p, 0, 0)),
            pl.BlockSpec((1, 1, 2, _L), lambda b, p: (b, p, 0, 0)),
        ],
        out_specs=pl.BlockSpec((1, 8, 128), lambda b, p: (b, 0, 0)),
        out_shape=jax.ShapeDtypeStruct((_B, 8, 128), jnp.float32),
        scratch_shapes=[
            pltpu.VMEM((_CH, 128), jnp.int32),
            pltpu.VMEM((_CH, 128), jnp.float32),
        ],
    )(ctr, edgemaps_len.reshape(_B, 1, _P), xyp, bins, em_planar)
    return acc[:, 0, 0]


_NTILES = 32
_FPT = (_B * _F) // _NTILES
_TPM = _NTILES // _B


def _vol_partials(xs, faces):
    mesh = plsc.VectorSubcoreMesh(core_axis_name="c", subcore_axis_name="s")

    @functools.partial(
        pl.kernel,
        mesh=mesh,
        compiler_params=pltpu.CompilerParams(needs_layout_passes=False),
        out_type=jax.ShapeDtypeStruct((_NTILES, 16), jnp.float32),
        scratch_types=[
            pltpu.VMEM((_V * 3,), jnp.float32),
            pltpu.VMEM((_FPT * 3,), jnp.int32),
            pltpu.VMEM((16,), jnp.float32),
        ],
    )
    def k(xs_hbm, faces_hbm, out_hbm, xsv, fv, accv):
        wid = lax.axis_index("c") * 16 + lax.axis_index("s")
        b = wid // _TPM
        pltpu.sync_copy(xs_hbm.at[b], xsv)
        pltpu.sync_copy(faces_hbm.at[pl.ds(wid * (_FPT * 3), _FPT * 3)], fv)
        lane = lax.broadcasted_iota(jnp.int32, (16,), 0)
        zero = jnp.zeros((16,), jnp.int32)
        voff = zero + b * (_V * 3)

        def body(i, acc):
            fidx = zero + i * 16 + lane
            m = fidx < _FPT
            fidx = jnp.where(m, fidx * 3, 0)
            i0 = plsc.load_gather(fv, [fidx]) * 3 - voff
            i1 = plsc.load_gather(fv, [fidx + 1]) * 3 - voff
            i2 = plsc.load_gather(fv, [fidx + 2]) * 3 - voff
            v0x = plsc.load_gather(xsv, [i0])
            v0y = plsc.load_gather(xsv, [i0 + 1])
            v0z = plsc.load_gather(xsv, [i0 + 2])
            v1x = plsc.load_gather(xsv, [i1])
            v1y = plsc.load_gather(xsv, [i1 + 1])
            v1z = plsc.load_gather(xsv, [i1 + 2])
            v2x = plsc.load_gather(xsv, [i2])
            v2y = plsc.load_gather(xsv, [i2 + 1])
            v2z = plsc.load_gather(xsv, [i2 + 2])
            cx = v0y * v1z - v0z * v1y
            cy = v0z * v1x - v0x * v1z
            cz = v0x * v1y - v0y * v1x
            t = cx * v2x + cy * v2y + cz * v2z
            t = jnp.where(m, t, 0.0)
            return acc + t

        nit = (_FPT + 15) // 16
        acc = lax.fori_loop(0, nit, body, jnp.zeros((16,), jnp.float32))
        accv[...] = acc * (1.0 / 6.0)
        pltpu.sync_copy(accv, out_hbm.at[wid])

    return k(xs.reshape(_B, _V * 3), faces.reshape(-1))


def kernel(xs, projmat, faces, faces_to_mesh, edgemaps, edgemaps_len, target_volumes):
    chamfer = _chamfer_tc(xs, projmat, edgemaps, edgemaps_len)
    volp = _vol_partials(xs, faces)
    vols = jnp.sum(volp.reshape(_B, _TPM * 16), axis=1)
    vol_err = (jnp.abs(vols) - target_volumes) ** 2
    return chamfer, vol_err

# --- scband reference (transcript-rebuilt; emitter-appended) ---
"""Pipeline reference for scband-penalty-method-68427418959978 (READ-ONLY COPY).

The authoritative reference and input builder live on the scoring server;
editing this copy changes nothing except your own understanding.
"""

import jax, jax.numpy as jnp
import numpy as np

B = 4
V = 20000
F = 40000
P = 12
L = 8192
NBINS = 512


def setup_inputs(seed: int = 0):
    key = jax.random.key(seed)
    ks = jax.random.split(key, 6)
    xs = jax.random.normal(ks[0], (B, V, 3), dtype=jnp.float32) * 0.1
    projmat = jax.random.normal(ks[1], (P, 3, 4), dtype=jnp.float32)
    projmat = projmat.at[:, 2, 3].add(5.0)
    faces_local = jax.random.randint(ks[2], (B, F, 3), 0, V, dtype=jnp.int32)
    offsets = (jnp.arange(B, dtype=jnp.int32) * V)[:, None, None]
    faces = (faces_local + offsets).reshape(B * F, 3)
    faces_to_mesh = jnp.repeat(jnp.arange(B, dtype=jnp.int32), F)
    edgemaps = jax.random.normal(ks[3], (B, P, L, 2), dtype=jnp.float32)
    edgemaps_len = jax.random.randint(ks[4], (B, P), L // 2, L + 1, dtype=jnp.int32)
    target_volumes = jnp.ones((B,), dtype=jnp.float32)
    return {"xs": xs, "projmat": projmat, "faces": faces, "faces_to_mesh": faces_to_mesh,
            "edgemaps": edgemaps, "edgemaps_len": edgemaps_len, "target_volumes": target_volumes}


def _boundary_one(pts):
    # silhouette boundary via angular max-radius binning (stand-in for get_boundary)
    Vn = pts.shape[0]
    c = jnp.mean(pts, axis=0)
    rel = pts - c
    theta = jnp.arctan2(rel[:, 1], rel[:, 0])
    r = jnp.sum(rel * rel, axis=-1)
    bins = jnp.clip(((theta + jnp.pi) / (2.0 * jnp.pi) * NBINS).astype(jnp.int32), 0, NBINS - 1)
    maxr = jax.ops.segment_max(r, bins, num_segments=NBINS)
    ismax = r >= maxr[bins]
    cand = jnp.where(ismax, jnp.arange(Vn, dtype=jnp.int32), Vn)
    sel = jax.ops.segment_min(cand, bins, num_segments=NBINS)
    valid = sel < Vn
    safe = jnp.minimum(sel, Vn - 1)
    bpts = jnp.where(valid[:, None], pts[safe], 0.0)
    order = jnp.argsort(jnp.where(valid, 0, 1).astype(jnp.int32))
    return bpts[order], jnp.sum(valid).astype(jnp.float32)


def _chamfer_one(bx, xlen, y, ylen):
    # single-directional chamfer: each valid boundary point -> nearest edgemap point (squared dist)
    xx = jnp.sum(bx * bx, axis=-1)
    yy = jnp.sum(y * y, axis=-1)
    d = xx[:, None] + yy[None, :] - 2.0 * (bx @ y.T)
    ymask = jnp.arange(y.shape[0]) < ylen
    d = jnp.where(ymask[None, :], d, jnp.inf)
    mind = jnp.min(d, axis=1)
    xmask = jnp.arange(bx.shape[0]) < xlen
    mind = jnp.where(xmask, mind, 0.0)
    return jnp.sum(mind) / jnp.maximum(xlen, 1.0)


def _forward(xs, projmat, edgemaps, target_volumes, faces, faces_to_mesh, edgemaps_len):
    Bn, Vn, _ = xs.shape
    ones = jnp.ones((Bn, Vn, 1), dtype=xs.dtype)
    homog = jnp.concatenate([xs, ones], axis=-1)
    proj = jnp.einsum('pij,bvj->bpvi', projmat, homog)
    xy = proj[..., :2] / proj[..., 2:3]
    bpts, blen = jax.vmap(jax.vmap(_boundary_one))(xy)
    elen_f = edgemaps_len.astype(jnp.float32)
    per_view = []
    for b in range(Bn):
        per_view.append(jax.vmap(_chamfer_one)(bpts[b], blen[b], edgemaps[b], elen_f[b]))
    per_view = jnp.stack(per_view, axis=0)
    chamfer = jnp.mean(per_view, axis=1)
    # volume constraint
    y_packed = xs.reshape(-1, 3)
    fv = y_packed[faces]
    v0, v1, v2 = fv[:, 0, :], fv[:, 1, :], fv[:, 2, :]
    cp = jnp.cross(v0, v1)
    fvol = jnp.sum(cp * v2, axis=-1) / 6.0
    vols = jax.ops.segment_sum(fvol, faces_to_mesh, num_segments=Bn)
    vol_err = (jnp.abs(vols) - target_volumes) ** 2
    return chamfer, vol_err


def reference(xs, projmat, faces, faces_to_mesh, edgemaps, edgemaps_len, target_volumes):
    return _forward(xs, projmat, edgemaps, target_volumes, faces, faces_to_mesh, edgemaps_len)

if __name__ == "__main__":
    import jax
    _d = setup_inputs()
    print(jax.jit(kernel)(*tuple(_d.values())))

</pallas_src>

<mosaic_0001>
#map = affine_map<(d0, d1) -> (0, 0)>
#map1 = affine_map<(d0, d1) -> (0)>
module attributes {stable_mosaic.version = 14 : i64} {
  func.func @k(%arg0: i32, %arg1: i32, %arg2: memref<4x60000xf32, #tpu.memory_space<hbm>>, %arg3: memref<480000xi32, #tpu.memory_space<hbm>>, %arg4: memref<32x16xf32, #tpu.memory_space<hbm>>, %arg5: memref<60000xf32, #tpu.memory_space<vmem>>, %arg6: memref<15000xi32, #tpu.memory_space<vmem>>, %arg7: memref<16xf32, #tpu.memory_space<vmem>>) attributes {dimension_semantics = [#tpu.dimension_semantics<core_parallel>, #tpu.dimension_semantics<subcore_parallel>], iteration_bounds = array<i64: 2, 16>, scalar_prefetch = 0 : i64, scratch_operands = 3 : i64, tpu.core_type = #tpu.core_type<sc_vector_subcore>, window_params = [{transform_indices = #map}, {transform_indices = #map1}, {transform_indices = #map}]} {
    %mul3A = arith.constant 16 : i32
    %mul3A_0 = arith.muli %arg0, %mul3A : i32
    %add3A = arith.addi %mul3A_0, %arg1 : i32
    %jit3A = arith.constant 8 : i32
    %div3A = arith.divsi %add3A, %jit3A : i32
    %sign3A = arith.constant 0 : i32
    %sign3A_1 = arith.cmpi sgt, %add3A, %sign3A : i32
    %sign3A_2 = arith.extui %sign3A_1 : i1 to i32
    %sign3A_3 = arith.constant 0 : i32
    %sign3A_4 = arith.cmpi slt, %add3A, %sign3A_3 : i32
    %sign3A_5 = arith.extui %sign3A_4 : i1 to i32
    %sign3A_6 = arith.subi %sign3A_2, %sign3A_5 : i32
    %sign3A_7 = arith.constant 0 : i32
    %sign3A_8 = arith.cmpi sgt, %jit3A, %sign3A_7 : i32
    %sign3A_9 = arith.extui %sign3A_8 : i1 to i32
    %sign3A_10 = arith.constant 0 : i32
    %sign3A_11 = arith.cmpi slt, %jit3A, %sign3A_10 : i32
    %sign3A_12 = arith.extui %sign3A_11 : i1 to i32
    %sign3A_13 = arith.subi %sign3A_9, %sign3A_12 : i32
    %ne3A = arith.cmpi ne, %sign3A_6, %sign3A_13 : i32
    %rem3A = arith.remsi %add3A, %jit3A : i32
    %ne3A_14 = arith.constant 0 : i32
    %ne3A_15 = arith.cmpi ne, %rem3A, %ne3A_14 : i32
    %and3A = arith.andi %ne3A, %ne3A_15 : i1
    %sub3A = arith.constant 1 : i32
    %sub3A_16 = arith.subi %div3A, %sub3A : i32
    %select_n3A = arith.select %and3A, %sub3A_16, %div3A : i32
    "tpu.region"() ({
      %run_scoped3A = tpu.sem_alloc : memref<!tpu.dma_semaphore, #tpu.memory_space<semaphore_mem>>
      %dma_start3A = arith.constant 0 : i32
      %dma_start3A_35 = tpu.memref_slice %arg2[%select_n3A, %dma_start3A] : memref<4x60000xf32, #tpu.memory_space<hbm>> -> memref<1x60000xf32, #tpu.memory_space<hbm>>
      %dma_start3A_36 = tpu.memref_squeeze %dma_start3A_35 : memref<1x60000xf32, #tpu.memory_space<hbm>> -> memref<60000xf32, #tpu.memory_space<hbm>>
      %dma_start3A_37 = arith.constant 0 : i32
      %dma_start3A_38 = tpu.memref_slice %arg2[%select_n3A, %dma_start3A_37] : memref<4x60000xf32, #tpu.memory_space<hbm>> -> memref<1x60000xf32, #tpu.memory_space<hbm>>
      %dma_start3A_39 = tpu.memref_squeeze %dma_start3A_38 : memref<1x60000xf32, #tpu.memory_space<hbm>> -> memref<60000xf32, #tpu.memory_space<hbm>>
      tpu.enqueue_dma source(%dma_start3A_39 : memref<60000xf32, #tpu.memory_space<hbm>>) target(%arg5 : memref<60000xf32, #tpu.memory_space<vmem>>) target_semaphore(%run_scoped3A : memref<!tpu.dma_semaphore, #tpu.memory_space<semaphore_mem>>)
      %dma_wait3A = arith.constant 0 : i32
      %dma_wait3A_40 = tpu.memref_slice %arg2[%select_n3A, %dma_wait3A] : memref<4x60000xf32, #tpu.memory_space<hbm>> -> memref<1x60000xf32, #tpu.memory_space<hbm>>
      %dma_wait3A_41 = tpu.memref_squeeze %dma_wait3A_40 : memref<1x60000xf32, #tpu.memory_space<hbm>> -> memref<60000xf32, #tpu.memory_space<hbm>>
      %dma_wait3A_42 = arith.constant 0 : i32
      %dma_wait3A_43 = tpu.memref_slice %arg2[%select_n3A, %dma_wait3A_42] : memref<4x60000xf32, #tpu.memory_space<hbm>> -> memref<1x60000xf32, #tpu.memory_space<hbm>>
      %dma_wait3A_44 = tpu.memref_squeeze %dma_wait3A_43 : memref<1x60000xf32, #tpu.memory_space<hbm>> -> memref<60000xf32, #tpu.memory_space<hbm>>
      tpu.wait_dma2 semaphore(%run_scoped3A : memref<!tpu.dma_semaphore, #tpu.memory_space<semaphore_mem>>) src(%dma_wait3A_44 : memref<60000xf32, #tpu.memory_space<hbm>>) dst(%arg5 : memref<60000xf32, #tpu.memory_space<vmem>>)
      tpu.yield
    }) : () -> ()
    %mul3A_17 = arith.constant 15000 : i32
    %mul3A_18 = arith.muli %add3A, %mul3A_17 : i32
    "tpu.region"() ({
      %run_scoped3A = tpu.sem_alloc : memref<!tpu.dma_semaphore, #tpu.memory_space<semaphore_mem>>
      %dma_start3A = tpu.memref_slice %arg3[%mul3A_18] : memref<480000xi32, #tpu.memory_space<hbm>> -> memref<15000xi32, #tpu.memory_space<hbm>>
      %dma_start3A_35 = tpu.memref_slice %arg3[%mul3A_18] : memref<480000xi32, #tpu.memory_space<hbm>> -> memref<15000xi32, #tpu.memory_space<hbm>>
      tpu.enqueue_dma source(%dma_start3A_35 : memref<15000xi32, #tpu.memory_space<hbm>>) target(%arg6 : memref<15000xi32, #tpu.memory_space<vmem>>) target_semaphore(%run_scoped3A : memref<!tpu.dma_semaphore, #tpu.memory_space<semaphore_mem>>)
      %dma_wait3A = tpu.memref_slice %arg3[%mul3A_18] : memref<480000xi32, #tpu.memory_space<hbm>> -> memref<15000xi32, #tpu.memory_space<hbm>>
      %dma_wait3A_36 = tpu.memref_slice %arg3[%mul3A_18] : memref<480000xi32, #tpu.memory_space<hbm>> -> memref<15000xi32, #tpu.memory_space<hbm>>
      tpu.wait_dma2 semaphore(%run_scoped3A : memref<!tpu.dma_semaphore, #tpu.memory_space<semaphore_mem>>) src(%dma_wait3A_36 : memref<15000xi32, #tpu.memory_space<hbm>>) dst(%arg6 : memref<15000xi32, #tpu.memory_space<vmem>>)
      tpu.yield
    }) : () -> ()
    %iota3A = tpu.iota {dimensions = array<i32: 0>} : vector<16xi32>
    %broadcast_in_dim3A = arith.constant 0 : i32
    %broadcast_in_dim3A_19 = vector.broadcast %broadcast_in_dim3A : i32 to vector<16xi32>
    %mul3A_20 = arith.constant 60000 : i32
    %mul3A_21 = arith.muli %select_n3A, %mul3A_20 : i32
    %add3A_22 = vector.broadcast %mul3A_21 : i32 to vector<16xi32>
    %add3A_23 = arith.addi %broadcast_in_dim3A_19, %add3A_22 : vector<16xi32>
    %broadcast_in_dim3A_24 = arith.constant 0.000000e+00 : f32
    %broadcast_in_dim3A_25 = vector.broadcast %broadcast_in_dim3A_24 : f32 to vector<16xf32>
    %scan3A = arith.constant 0 : i32
    %scan3A_26 = arith.constant 313 : i32
    %scan3A_27 = arith.addi %scan3A, %scan3A_26 : i32
    %scan3A_28 = arith.constant 1 : i32
    %scan3A_29 = scf.for %scan3A_35 = %scan3A to %scan3A_27 step %scan3A_28 iter_args(%scan3A_36 = %broadcast_in_dim3A_25) -> (vector<16xf32>)  : i32 {
      %mul3A_37 = arith.constant 16 : i32
      %mul3A_38 = arith.muli %scan3A_35, %mul3A_37 : i32
      %add3A_39 = vector.broadcast %mul3A_38 : i32 to vector<16xi32>
      %add3A_40 = arith.addi %broadcast_in_dim3A_19, %add3A_39 : vector<16xi32>
      %add3A_41 = arith.addi %add3A_40, %iota3A : vector<16xi32>
      %lt3A = arith.constant 5000 : i32
      %lt3A_42 = vector.broadcast %lt3A : i32 to vector<16xi32>
      %lt3A_43 = arith.cmpi slt, %add3A_41, %lt3A_42 : vector<16xi32>
      %mul3A_44 = arith.constant 3 : i32
      %mul3A_45 = vector.broadcast %mul3A_44 : i32 to vector<16xi32>
      %mul3A_46 = arith.muli %add3A_41, %mul3A_45 : vector<16xi32>
      %jit3A_47 = arith.constant 0 : i32
      %broadcast_in_dim3A_48 = vector.broadcast %jit3A_47 : i32 to vector<16xi32>
      %select_n3A_49 = arith.select %lt3A_43, %mul3A_46, %broadcast_in_dim3A_48 : vector<16xi1>, vector<16xi32>
      %gather3A = tpu.vector_load_idx %arg6[%select_n3A_49] : memref<15000xi32, #tpu.memory_space<vmem>>[vector<16xi32>], vector<16xi32>,
      %mul3A_50 = arith.constant 3 : i32
      %mul3A_51 = vector.broadcast %mul3A_50 : i32 to vector<16xi32>
      %mul3A_52 = arith.muli %gather3A, %mul3A_51 : vector<16xi32>
      %sub3A_53 = arith.subi %mul3A_52, %add3A_23 : vector<16xi32>
      %add3A_54 = arith.constant 1 : i32
      %add3A_55 = vector.broadcast %add3A_54 : i32 to vector<16xi32>
      %add3A_56 = arith.addi %select_n3A_49, %add3A_55 : vector<16xi32>
      %gather3A_57 = tpu.vector_load_idx %arg6[%add3A_56] : memref<15000xi32, #tpu.memory_space<vmem>>[vector<16xi32>], vector<16xi32>,
      %mul3A_58 = arith.constant 3 : i32
      %mul3A_59 = vector.broadcast %mul3A_58 : i32 to vector<16xi32>
      %mul3A_60 = arith.muli %gather3A_57, %mul3A_59 : vector<16xi32>
      %sub3A_61 = arith.subi %mul3A_60, %add3A_23 : vector<16xi32>
      %add3A_62 = arith.constant 2 : i32
      %add3A_63 = vector.broadcast %add3A_62 : i32 to vector<16xi32>
      %add3A_64 = arith.addi %select_n3A_49, %add3A_63 : vector<16xi32>
      %gather3A_65 = tpu.vector_load_idx %arg6[%add3A_64] : memref<15000xi32, #tpu.memory_space<vmem>>[vector<16xi32>], vector<16xi32>,
      %mul3A_66 = arith.constant 3 : i32
      %mul3A_67 = vector.broadcast %mul3A_66 : i32 to vector<16xi32>
      %mul3A_68 = arith.muli %gather3A_65, %mul3A_67 : vector<16xi32>
      %sub3A_69 = arith.subi %mul3A_68, %add3A_23 : vector<16xi32>
      %gather3A_70 = tpu.vector_load_idx %arg5[%sub3A_53] : memref<60000xf32, #tpu.memory_space<vmem>>[vector<16xi32>], vector<16xf32>,
      %add3A_71 = arith.constant 1 : i32
      %add3A_72 = vector.broadcast %add3A_71 : i32 to vector<16xi32>
      %add3A_73 = arith.addi %sub3A_53, %add3A_72 : vector<16xi32>
      %gather3A_74 = tpu.vector_load_idx %arg5[%add3A_73] : memref<60000xf32, #tpu.memory_space<vmem>>[vector<16xi32>], vector<16xf32>,
      %add3A_75 = arith.constant 2 : i32
      %add3A_76 = vector.broadcast %add3A_75 : i32 to vector<16xi32>
      %add3A_77 = arith.addi %sub3A_53, %add3A_76 : vector<16xi32>
      %gather3A_78 = tpu.vector_load_idx %arg5[%add3A_77] : memref<60000xf32, #tpu.memory_space<vmem>>[vector<16xi32>], vector<16xf32>,
      %gather3A_79 = tpu.vector_load_idx %arg5[%sub3A_61] : memref<60000xf32, #tpu.memory_space<vmem>>[vector<16xi32>], vector<16xf32>,
      %add3A_80 = arith.constant 1 : i32
      %add3A_81 = vector.broadcast %add3A_80 : i32 to vector<16xi32>
      %add3A_82 = arith.addi %sub3A_61, %add3A_81 : vector<16xi32>
      %gather3A_83 = tpu.vector_load_idx %arg5[%add3A_82] : memref<60000xf32, #tpu.memory_space<vmem>>[vector<16xi32>], vector<16xf32>,
      %add3A_84 = arith.constant 2 : i32
      %add3A_85 = vector.broadcast %add3A_84 : i32 to vector<16xi32>
      %add3A_86 = arith.addi %sub3A_61, %add3A_85 : vector<16xi32>
      %gather3A_87 = tpu.vector_load_idx %arg5[%add3A_86] : memref<60000xf32, #tpu.memory_space<vmem>>[vector<16xi32>], vector<16xf32>,
      %gather3A_88 = tpu.vector_load_idx %arg5[%sub3A_69] : memref<60000xf32, #tpu.memory_space<vmem>>[vector<16xi32>], vector<16xf32>,
      %add3A_89 = arith.constant 1 : i32
      %add3A_90 = vector.broadcast %add3A_89 : i32 to vector<16xi32>
      %add3A_91 = arith.addi %sub3A_69, %add3A_90 : vector<16xi32>
      %gather3A_92 = tpu.vector_load_idx %arg5[%add3A_91] : memref<60000xf32, #tpu.memory_space<vmem>>[vector<16xi32>], vector<16xf32>,
      %add3A_93 = arith.constant 2 : i32
      %add3A_94 = vector.broadcast %add3A_93 : i32 to vector<16xi32>
      %add3A_95 = arith.addi %sub3A_69, %add3A_94 : vector<16xi32>
      %gather3A_96 = tpu.vector_load_idx %arg5[%add3A_95] : memref<60000xf32, #tpu.memory_space<vmem>>[vector<16xi32>], vector<16xf32>,
      %mul3A_97 = arith.mulf %gather3A_74, %gather3A_87 : vector<16xf32>
      %mul3A_98 = arith.mulf %gather3A_78, %gather3A_83 : vector<16xf32>
      %sub3A_99 = arith.subf %mul3A_97, %mul3A_98 : vector<16xf32>
      %mul3A_100 = arith.mulf %gather3A_78, %gather3A_79 : vector<16xf32>
      %mul3A_101 = arith.mulf %gather3A_70, %gather3A_87 : vector<16xf32>
      %sub3A_102 = arith.subf %mul3A_100, %mul3A_101 : vector<16xf32>
      %mul3A_103 = arith.mulf %gather3A_70, %gather3A_83 : vector<16xf32>
      %mul3A_104 = arith.mulf %gather3A_74, %gather3A_79 : vector<16xf32>
      %sub3A_105 = arith.subf %mul3A_103, %mul3A_104 : vector<16xf32>
      %mul3A_106 = arith.mulf %sub3A_99, %gather3A_88 : vector<16xf32>
      %mul3A_107 = arith.mulf %sub3A_102, %gather3A_92 : vector<16xf32>
      %add3A_108 = arith.addf %mul3A_106, %mul3A_107 : vector<16xf32>
      %mul3A_109 = arith.mulf %sub3A_105, %gather3A_96 : vector<16xf32>
      %add3A_110 = arith.addf %add3A_108, %mul3A_109 : vector<16xf32>
      %jit3A_111 = arith.constant 0.000000e+00 : f32
      %broadcast_in_dim3A_112 = vector.broadcast %jit3A_111 : f32 to vector<16xf32>
      %select_n3A_113 = arith.select %lt3A_43, %add3A_110, %broadcast_in_dim3A_112 : vector<16xi1>, vector<16xf32>
      %add3A_114 = arith.addf %scan3A_36, %select_n3A_113 : vector<16xf32>
      scf.yield %add3A_114 : vector<16xf32>
    }
    %scan3A_30 = arith.constant 313 : i32
    %mul3A_31 = arith.constant 0.166666672 : f32
    %mul3A_32 = vector.broadcast %mul3A_31 : f32 to vector<16xf32>
    %mul3A_33 = arith.mulf %scan3A_29, %mul3A_32 : vector<16xf32>
    %swap3A = arith.constant 0 : index
    %swap3A_34 = tpu.vector_load %arg7[%swap3A] {strides = array<i32>} : memref<16xf32, #tpu.memory_space<vmem>>, vector<16xf32>,
    tpu.vector_store %arg7[%swap3A], %mul3A_33 {strides = array<i32>} : memref<16xf32, #tpu.memory_space<vmem>>, vector<16xf32>,
    "tpu.region"() ({
      %run_scoped3A = tpu.sem_alloc : memref<!tpu.dma_semaphore, #tpu.memory_space<semaphore_mem>>
      %dma_start3A = arith.constant 0 : i32
      %dma_start3A_35 = tpu.memref_slice %arg4[%add3A, %dma_start3A] : memref<32x16xf32, #tpu.memory_space<hbm>> -> memref<1x16xf32, #tpu.memory_space<hbm>>
      %dma_start3A_36 = tpu.memref_squeeze %dma_start3A_35 : memref<1x16xf32, #tpu.memory_space<hbm>> -> memref<16xf32, #tpu.memory_space<hbm>>
      %dma_start3A_37 = arith.constant 0 : i32
      %dma_start3A_38 = tpu.memref_slice %arg4[%add3A, %dma_start3A_37] : memref<32x16xf32, #tpu.memory_space<hbm>> -> memref<1x16xf32, #tpu.memory_space<hbm>>
      %dma_start3A_39 = tpu.memref_squeeze %dma_start3A_38 : memref<1x16xf32, #tpu.memory_space<hbm>> -> memref<16xf32, #tpu.memory_space<hbm>>
      tpu.enqueue_dma source(%arg7 : memref<16xf32, #tpu.memory_space<vmem>>) target(%dma_start3A_39 : memref<16xf32, #tpu.memory_space<hbm>>) target_semaphore(%run_scoped3A : memref<!tpu.dma_semaphore, #tpu.memory_space<semaphore_mem>>)
      %dma_wait3A = arith.constant 0 : i32
      %dma_wait3A_40 = tpu.memref_slice %arg4[%add3A, %dma_wait3A] : memref<32x16xf32, #tpu.memory_space<hbm>> -> memref<1x16xf32, #tpu.memory_space<hbm>>
      %dma_wait3A_41 = tpu.memref_squeeze %dma_wait3A_40 : memref<1x16xf32, #tpu.memory_space<hbm>> -> memref<16xf32, #tpu.memory_space<hbm>>
      %dma_wait3A_42 = arith.constant 0 : i32
      %dma_wait3A_43 = tpu.memref_slice %arg4[%add3A, %dma_wait3A_42] : memref<32x16xf32, #tpu.memory_space<hbm>> -> memref<1x16xf32, #tpu.memory_space<hbm>>
      %dma_wait3A_44 = tpu.memref_squeeze %dma_wait3A_43 : memref<1x16xf32, #tpu.memory_space<hbm>> -> memref<16xf32, #tpu.memory_space<hbm>>
      tpu.wait_dma2 semaphore(%run_scoped3A : memref<!tpu.dma_semaphore, #tpu.memory_space<semaphore_mem>>) src(%arg7 : memref<16xf32, #tpu.memory_space<vmem>>) dst(%dma_wait3A_44 : memref<16xf32, #tpu.memory_space<hbm>>)
      tpu.yield
    }) : () -> ()
    return
  }
}

module attributes {stable_mosaic.version = 14 : i64} {
  func.func @_view_kernel(%arg0: i32, %arg1: i32, %arg2: memref<1x1x2x12xf32, #tpu.memory_space<smem>>, %arg3: memref<1x1x12xi32, #tpu.memory_space<smem>>, %arg4: memref<1x1x2x160x128xf32, #tpu.memory_space<vmem>>, %arg5: memref<1x1x160x128xi32, #tpu.memory_space<vmem>>, %arg6: memref<1x1x2x8192xf32, #tpu.memory_space<vmem>>, %arg7: memref<1x8x128xf32, #tpu.memory_space<vmem>>, %arg8: memref<160x128xi32, #tpu.memory_space<vmem>>, %arg9: memref<160x128xf32, #tpu.memory_space<vmem>>) attributes {dimension_semantics = [#tpu.dimension_semantics<arbitrary>, #tpu.dimension_semantics<arbitrary>], iteration_bounds = array<i64: 4, 12>, scalar_prefetch = 0 : i64, scratch_operands = 2 : i64, tpu.core_type = #tpu.core_type<tc>, window_params = [{transform_indices = @transform_0, window_bounds = array<i64: 1, 1, 2, 12>}, {transform_indices = @transform_1, window_bounds = array<i64: 1, 1, 12>}, {transform_indices = @transform_2, window_bounds = array<i64: 1, 1, 2, 160, 128>}, {transform_indices = @transform_3, window_bounds = array<i64: 1, 1, 160, 128>}, {transform_indices = @transform_4, window_bounds = array<i64: 1, 1, 2, 8192>}, {transform_indices = @transform_5, window_bounds = array<i64: 1, 8, 128>}]} {
    %get3A = arith.constant 0 : index
    %get3A_0 = arith.constant 0 : index
    %get3A_1 = arith.constant 0 : index
    %get3A_2 = arith.constant 0 : index
    %get3A_3 = arith.constant 0 : index
    %get3A_4 = vector.load %arg4[%get3A, %get3A_0, %get3A_1, %get3A_2, %get3A_3] : memref<1x1x2x160x128xf32, #tpu.memory_space<vmem>>, vector<1x1x1x160x128xf32>
    %get3A_5 = vector.shape_cast %get3A_4 : vector<1x1x1x160x128xf32> to vector<160x128xf32>
    %get3A_6 = arith.constant 0 : index
    %get3A_7 = arith.constant 0 : index
    %get3A_8 = arith.constant 1 : index
    %get3A_9 = arith.constant 0 : index
    %get3A_10 = arith.constant 0 : index
    %get3A_11 = vector.load %arg4[%get3A_6, %get3A_7, %get3A_8, %get3A_9, %get3A_10] : memref<1x1x2x160x128xf32, #tpu.memory_space<vmem>>, vector<1x1x1x160x128xf32>
    %get3A_12 = vector.shape_cast %get3A_11 : vector<1x1x1x160x128xf32> to vector<160x128xf32>
    %get3A_13 = arith.constant 0 : index
    %get3A_14 = arith.constant 0 : index
    %get3A_15 = arith.constant 0 : index
    %get3A_16 = arith.index_cast %arg1 : i32 to index
    %get3A_17 = memref.load %arg2[%get3A_13, %get3A_14, %get3A_15, %get3A_16] : memref<1x1x2x12xf32, #tpu.memory_space<smem>>
    %get3A_18 = arith.constant 0 : index
    %get3A_19 = arith.constant 0 : index
    %get3A_20 = arith.constant 1 : index
    %get3A_21 = arith.index_cast %arg1 : i32 to index
    %get3A_22 = memref.load %arg2[%get3A_18, %get3A_19, %get3A_20, %get3A_21] : memref<1x1x2x12xf32, #tpu.memory_space<smem>>
    %sub3A = vector.broadcast %get3A_17 : f32 to vector<160x128xf32>
    %sub3A_23 = arith.subf %get3A_5, %sub3A : vector<160x128xf32>
    %sub3A_24 = vector.broadcast %get3A_22 : f32 to vector<160x128xf32>
    %sub3A_25 = arith.subf %get3A_12, %sub3A_24 : vector<160x128xf32>
    %mul3A = arith.mulf %sub3A_23, %sub3A_23 : vector<160x128xf32>
    %mul3A_26 = arith.mulf %sub3A_25, %sub3A_25 : vector<160x128xf32>
    %add3A = arith.addf %mul3A, %mul3A_26 : vector<160x128xf32>
    %swap3A = arith.constant 0 : index
    %swap3A_27 = arith.constant 0 : index
    %swap3A_28 = vector.load %arg9[%swap3A, %swap3A_27] : memref<160x128xf32, #tpu.memory_space<vmem>>, vector<160x128xf32>
    tpu.vector_store %arg9[%swap3A, %swap3A_27], %add3A {strides = array<i32>} : memref<160x128xf32, #tpu.memory_space<vmem>>, vector<160x128xf32>,
    %get3A_29 = arith.constant 0 : index
    %get3A_30 = arith.constant 0 : index
    %get3A_31 = arith.constant 0 : index
    %get3A_32 = arith.constant 0 : index
    %get3A_33 = vector.load %arg5[%get3A_29, %get3A_30, %get3A_31, %get3A_32] : memref<1x1x160x128xi32, #tpu.memory_space<vmem>>, vector<1x1x160x128xi32>
    %get3A_34 = vector.shape_cast %get3A_33 : vector<1x1x160x128xi32> to vector<160x128xi32>
    %swap3A_35 = arith.constant 0 : index
    %swap3A_36 = arith.constant 0 : index
    %swap3A_37 = vector.load %arg8[%swap3A_35, %swap3A_36] : memref<160x128xi32, #tpu.memory_space<vmem>>, vector<160x128xi32>
    tpu.vector_store %arg8[%swap3A_35, %swap3A_36], %get3A_34 {strides = array<i32>} : memref<160x128xi32, #tpu.memory_space<vmem>>, vector<160x128xi32>,
    %iota3A = tpu.iota {dimensions = array<i32: 0>} : vector<512x128xi32>
    %iota3A_38 = tpu.iota {dimensions = array<i32: 1>} : vector<1x128xi32>
    %broadcast_in_dim3A = arith.constant -1.000000e+00 : f32
    %broadcast_in_dim3A_39 = vector.broadcast %broadcast_in_dim3A : f32 to vector<512x1xf32>
    %broadcast_in_dim3A_40 = arith.constant 1073741824 : i32
    %broadcast_in_dim3A_41 = vector.broadcast %broadcast_in_dim3A_40 : i32 to vector<512x1xi32>
    %broadcast_in_dim3A_42 = arith.constant 0.000000e+00 : f32
    %broadcast_in_dim3A_43 = vector.broadcast %broadcast_in_dim3A_42 : f32 to vector<512x1xf32>
    %broadcast_in_dim3A_44 = arith.constant 0.000000e+00 : f32
    %broadcast_in_dim3A_45 = vector.broadcast %broadcast_in_dim3A_44 : f32 to vector<512x1xf32>
    %scan3A = arith.constant 0 : i32
    %scan3A_46 = arith.constant 160 : i32
    %scan3A_47 = arith.addi %scan3A, %scan3A_46 : i32
    %scan3A_48 = arith.constant 1 : i32
    %scan3A_49:4 = scf.for %scan3A_377 = %scan3A to %scan3A_47 step %scan3A_48 iter_args(%scan3A_378 = %broadcast_in_dim3A_39, %scan3A_379 = %broadcast_in_dim3A_41, %scan3A_380 = %broadcast_in_dim3A_43, %scan3A_381 = %broadcast_in_dim3A_45) -> (vector<512x1xf32>, vector<512x1xi32>, vector<512x1xf32>, vector<512x1xf32>)  : i32 {
      %get3A_382 = arith.index_cast %scan3A_377 : i32 to index
      %get3A_383 = arith.constant 0 : index
      %get3A_384 = vector.load %arg8[%get3A_382, %get3A_383] : memref<160x128xi32, #tpu.memory_space<vmem>>, vector<1x128xi32>
      %get3A_385 = arith.index_cast %scan3A_377 : i32 to index
      %get3A_386 = arith.constant 0 : index
      %get3A_387 = vector.load %arg9[%get3A_385, %get3A_386] : memref<160x128xf32, #tpu.memory_space<vmem>>, vector<1x128xf32>
      %get3A_388 = arith.constant 0 : index
      %get3A_389 = arith.constant 0 : index
      %get3A_390 = arith.constant 0 : index
      %get3A_391 = arith.index_cast %scan3A_377 : i32 to index
      %get3A_392 = arith.constant 0 : index
      %get3A_393 = vector.load %arg4[%get3A_388, %get3A_389, %get3A_390, %get3A_391, %get3A_392] : memref<1x1x2x160x128xf32, #tpu.memory_space<vmem>>, vector<1x1x1x1x128xf32>
      %get3A_394 = vector.shape_cast %get3A_393 : vector<1x1x1x1x128xf32> to vector<1x128xf32>
      %get3A_395 = arith.constant 0 : index
      %get3A_396 = arith.constant 0 : index
      %get3A_397 = arith.constant 1 : index
      %get3A_398 = arith.index_cast %scan3A_377 : i32 to index
      %get3A_399 = arith.constant 0 : index
      %get3A_400 = vector.load %arg4[%get3A_395, %get3A_396, %get3A_397, %get3A_398, %get3A_399] : memref<1x1x2x160x128xf32, #tpu.memory_space<vmem>>, vector<1x1x1x1x128xf32>
      %get3A_401 = vector.shape_cast %get3A_400 : vector<1x1x1x1x128xf32> to vector<1x128xf32>
      %mul3A_402 = arith.constant 128 : i32
      %mul3A_403 = arith.muli %scan3A_377, %mul3A_402 : i32
      %add3A_404 = vector.broadcast %mul3A_403 : i32 to vector<1x128xi32>
      %add3A_405 = arith.addi %add3A_404, %iota3A_38 : vector<1x128xi32>
      %eq3A_406 = vector.broadcast %get3A_384 : vector<1x128xi32> to vector<512x128xi32>
      %eq3A_407 = arith.cmpi eq, %iota3A, %eq3A_406 : vector<512x128xi32>
      %jit3A_408 = arith.constant -2.000000e+00 : f32
      %broadcast_in_dim3A_409 = vector.shape_cast %get3A_387 : vector<1x128xf32> to vector<1x128xf32>
      %broadcast_in_dim3A_410 = vector.broadcast %broadcast_in_dim3A_409 : vector<1x128xf32> to vector<512x128xf32>
      %broadcast_in_dim3A_411 = vector.broadcast %jit3A_408 : f32 to vector<512x128xf32>
      %select_n3A_412 = arith.select %eq3A_407, %broadcast_in_dim3A_410, %broadcast_in_dim3A_411 : vector<512x128xi1>, vector<512x128xf32>
      %reduce_max3A = arith.constant dense<0xFF800000> : vector<512xf32>
      %reduce_max3A_413 = vector.multi_reduction <maximumf>, %select_n3A_412, %reduce_max3A [1] : vector<512x128xf32> to vector<512xf32>
      %broadcast_in_dim3A_414 = vector.shape_cast %reduce_max3A_413 : vector<512xf32> to vector<512x1xf32>
      %eq3A_415 = vector.broadcast %get3A_387 : vector<1x128xf32> to vector<512x128xf32>
      %eq3A_416 = vector.broadcast %broadcast_in_dim3A_414 : vector<512x1xf32> to vector<512x128xf32>
      %eq3A_417 = arith.cmpf oeq, %eq3A_415, %eq3A_416 : vector<512x128xf32>
      %and3A = arith.andi %eq3A_407, %eq3A_417 : vector<512x128xi1>
      %jit3A_418 = arith.constant 1073741824 : i32
      %broadcast_in_dim3A_419 = vector.shape_cast %add3A_405 : vector<1x128xi32> to vector<1x128xi32>
      %broadcast_in_dim3A_420 = vector.broadcast %broadcast_in_dim3A_419 : vector<1x128xi32> to vector<512x128xi32>
      %broadcast_in_dim3A_421 = vector.broadcast %jit3A_418 : i32 to vector<512x128xi32>
      %select_n3A_422 = arith.select %and3A, %broadcast_in_dim3A_420, %broadcast_in_dim3A_421 : vector<512x128xi1>, vector<512x128xi32>
      %reduce_min3A_423 = arith.constant dense<2147483647> : vector<512xi32>
      %reduce_min3A_424 = vector.multi_reduction <minsi>, %select_n3A_422, %reduce_min3A_423 [1] : vector<512x128xi32> to vector<512xi32>
      %broadcast_in_dim3A_425 = vector.shape_cast %reduce_min3A_424 : vector<512xi32> to vector<512x1xi32>
      %eq3A_426 = vector.broadcast %add3A_405 : vector<1x128xi32> to vector<512x128xi32>
      %eq3A_427 = vector.broadcast %broadcast_in_dim3A_425 : vector<512x1xi32> to vector<512x128xi32>
      %eq3A_428 = arith.cmpi eq, %eq3A_426, %eq3A_427 : vector<512x128xi32>
      %and3A_429 = arith.andi %and3A, %eq3A_428 : vector<512x128xi1>
      %jit3A_430 = arith.constant 0.000000e+00 : f32
      %broadcast_in_dim3A_431 = vector.shape_cast %get3A_394 : vector<1x128xf32> to vector<1x128xf32>
      %broadcast_in_dim3A_432 = vector.broadcast %broadcast_in_dim3A_431 : vector<1x128xf32> to vector<512x128xf32>
      %broadcast_in_dim3A_433 = vector.broadcast %jit3A_430 : f32 to vector<512x128xf32>
      %select_n3A_434 = arith.select %and3A_429, %broadcast_in_dim3A_432, %broadcast_in_dim3A_433 : vector<512x128xi1>, vector<512x128xf32>
      %reduce_sum3A_435 = arith.constant dense<0.000000e+00> : vector<512xf32>
      %reduce_sum3A_436 = vector.multi_reduction <add>, %select_n3A_434, %reduce_sum3A_435 [1] : vector<512x128xf32> to vector<512xf32>
      %broadcast_in_dim3A_437 = vector.shape_cast %reduce_sum3A_436 : vector<512xf32> to vector<512x1xf32>
      %jit3A_438 = arith.constant 0.000000e+00 : f32
      %broadcast_in_dim3A_439 = vector.shape_cast %get3A_401 : vector<1x128xf32> to vector<1x128xf32>
      %broadcast_in_dim3A_440 = vector.broadcast %broadcast_in_dim3A_439 : vector<1x128xf32> to vector<512x128xf32>
      %broadcast_in_dim3A_441 = vector.broadcast %jit3A_438 : f32 to vector<512x128xf32>
      %select_n3A_442 = arith.select %and3A_429, %broadcast_in_dim3A_440, %broadcast_in_dim3A_441 : vector<512x128xi1>, vector<512x128xf32>
      %reduce_sum3A_443 = arith.constant dense<0.000000e+00> : vector<512xf32>
      %reduce_sum3A_444 = vector.multi_reduction <add>, %select_n3A_442, %reduce_sum3A_443 [1] : vector<512x128xf32> to vector<512xf32>
      %broadcast_in_dim3A_445 = vector.shape_cast %reduce_sum3A_444 : vector<512xf32> to vector<512x1xf32>
      %gt3A = arith.cmpf ogt, %broadcast_in_dim3A_414, %scan3A_378 : vector<512x1xf32>
      %eq3A_446 = arith.cmpf oeq, %broadcast_in_dim3A_414, %scan3A_378 : vector<512x1xf32>
      %lt3A_447 = arith.cmpi slt, %broadcast_in_dim3A_425, %scan3A_379 : vector<512x1xi32>
      %and3A_448 = arith.andi %eq3A_446, %lt3A_447 : vector<512x1xi1>
      %or3A = arith.ori %gt3A, %and3A_448 : vector<512x1xi1>
      %select_n3A_449 = arith.select %or3A, %broadcast_in_dim3A_414, %scan3A_378 : vector<512x1xi1>, vector<512x1xf32>
      %select_n3A_450 = arith.select %or3A, %broadcast_in_dim3A_425, %scan3A_379 : vector<512x1xi1>, vector<512x1xi32>
      %select_n3A_451 = arith.select %or3A, %broadcast_in_dim3A_437, %scan3A_380 : vector<512x1xi1>, vector<512x1xf32>
      %select_n3A_452 = arith.select %or3A, %broadcast_in_dim3A_445, %scan3A_381 : vector<512x1xi1>, vector<512x1xf32>
      scf.yield %select_n3A_449, %select_n3A_450, %select_n3A_451, %select_n3A_452 : vector<512x1xf32>, vector<512x1xi32>, vector<512x1xf32>, vector<512x1xf32>
    }
    %scan3A_50 = arith.constant 160 : i32
    %ge3A = arith.constant 0.000000e+00 : f32
    %ge3A_51 = vector.broadcast %ge3A : f32 to vector<512x1xf32>
    %ge3A_52 = arith.cmpf oge, %scan3A_49#0, %ge3A_51 : vector<512x1xf32>
    %get3A_53 = arith.constant 0 : index
    %get3A_54 = arith.constant 0 : index
    %get3A_55 = arith.index_cast %arg1 : i32 to index
    %get3A_56 = memref.load %arg3[%get3A_53, %get3A_54, %get3A_55] : memref<1x1x12xi32, #tpu.memory_space<smem>>
    %get3A_57 = arith.constant 0 : index
    %get3A_58 = arith.constant 0 : index
    %get3A_59 = arith.constant 0 : index
    %get3A_60 = arith.constant 0 : index
    %get3A_61 = vector.load %arg6[%get3A_57, %get3A_58, %get3A_59, %get3A_60] : memref<1x1x2x8192xf32, #tpu.memory_space<vmem>>, vector<1x1x1x8192xf32>
    %get3A_62 = vector.shape_cast %get3A_61 : vector<1x1x1x8192xf32> to vector<1x8192xf32>
    %get3A_63 = arith.constant 0 : index
    %get3A_64 = arith.constant 0 : index
    %get3A_65 = arith.constant 1 : index
    %get3A_66 = arith.constant 0 : index
    %get3A_67 = vector.load %arg6[%get3A_63, %get3A_64, %get3A_65, %get3A_66] : memref<1x1x2x8192xf32, #tpu.memory_space<vmem>>, vector<1x1x1x8192xf32>
    %get3A_68 = vector.shape_cast %get3A_67 : vector<1x1x1x8192xf32> to vector<1x8192xf32>
    %broadcast_in_dim3A_69 = arith.constant 0x7F800000 : f32
    %broadcast_in_dim3A_70 = vector.broadcast %broadcast_in_dim3A_69 : f32 to vector<512x1024xf32>
    %iota3A_71 = tpu.iota {dimensions = array<i32: 1>} : vector<1x1024xi32>
    %convert_element_type3A = arith.truncf %scan3A_49#2 : vector<512x1xf32> to vector<512x1xbf16>
    %convert_element_type3A_72 = arith.extf %convert_element_type3A : vector<512x1xbf16> to vector<512x1xf32>
    %convert_element_type3A_73 = arith.truncf %scan3A_49#3 : vector<512x1xf32> to vector<512x1xbf16>
    %convert_element_type3A_74 = arith.extf %convert_element_type3A_73 : vector<512x1xbf16> to vector<512x1xf32>
    %mul3A_75 = arith.mulf %scan3A_49#2, %scan3A_49#2 : vector<512x1xf32>
    %mul3A_76 = arith.mulf %scan3A_49#3, %scan3A_49#3 : vector<512x1xf32>
    %add3A_77 = arith.addf %mul3A_75, %mul3A_76 : vector<512x1xf32>
    %slice3A = vector.extract_strided_slice %get3A_62 {offsets = [0, 0], sizes = [1, 1024], strides = [1, 1]} : vector<1x8192xf32> to vector<1x1024xf32>
    %slice3A_78 = vector.extract_strided_slice %get3A_68 {offsets = [0, 0], sizes = [1, 1024], strides = [1, 1]} : vector<1x8192xf32> to vector<1x1024xf32>
    %convert_element_type3A_79 = arith.truncf %slice3A : vector<1x1024xf32> to vector<1x1024xbf16>
    %convert_element_type3A_80 = arith.extf %convert_element_type3A_79 : vector<1x1024xbf16> to vector<1x1024xf32>
    %convert_element_type3A_81 = arith.truncf %slice3A_78 : vector<1x1024xf32> to vector<1x1024xbf16>
    %convert_element_type3A_82 = arith.extf %convert_element_type3A_81 : vector<1x1024xbf16> to vector<1x1024xf32>
    %mul3A_83 = arith.mulf %slice3A, %slice3A : vector<1x1024xf32>
    %mul3A_84 = arith.mulf %slice3A_78, %slice3A_78 : vector<1x1024xf32>
    %add3A_85 = arith.addf %mul3A_83, %mul3A_84 : vector<1x1024xf32>
    %mul3A_86 = vector.broadcast %convert_element_type3A_72 : vector<512x1xf32> to vector<512x1024xf32>
    %mul3A_87 = vector.broadcast %convert_element_type3A_80 : vector<1x1024xf32> to vector<512x1024xf32>
    %mul3A_88 = arith.mulf %mul3A_86, %mul3A_87 : vector<512x1024xf32>
    %mul3A_89 = vector.broadcast %convert_element_type3A_74 : vector<512x1xf32> to vector<512x1024xf32>
    %mul3A_90 = vector.broadcast %convert_element_type3A_82 : vector<1x1024xf32> to vector<512x1024xf32>
    %mul3A_91 = arith.mulf %mul3A_89, %mul3A_90 : vector<512x1024xf32>
    %add3A_92 = arith.addf %mul3A_88, %mul3A_91 : vector<512x1024xf32>
    %add3A_93 = vector.broadcast %add3A_77 : vector<512x1xf32> to vector<512x1024xf32>
    %add3A_94 = vector.broadcast %add3A_85 : vector<1x1024xf32> to vector<512x1024xf32>
    %add3A_95 = arith.addf %add3A_93, %add3A_94 : vector<512x1024xf32>
    %mul3A_96 = arith.constant 2.000000e+00 : f32
    %mul3A_97 = vector.broadcast %mul3A_96 : f32 to vector<512x1024xf32>
    %mul3A_98 = arith.mulf %mul3A_97, %add3A_92 : vector<512x1024xf32>
    %sub3A_99 = arith.subf %add3A_95, %mul3A_98 : vector<512x1024xf32>
    %add3A_100 = arith.constant 0 : i32
    %add3A_101 = vector.broadcast %add3A_100 : i32 to vector<1x1024xi32>
    %add3A_102 = arith.addi %iota3A_71, %add3A_101 : vector<1x1024xi32>
    %lt3A = vector.broadcast %get3A_56 : i32 to vector<1x1024xi32>
    %lt3A_103 = arith.cmpi slt, %add3A_102, %lt3A : vector<1x1024xi32>
    %jit3A = arith.constant 0x7F800000 : f32
    %broadcast_in_dim3A_104 = vector.shape_cast %lt3A_103 : vector<1x1024xi1> to vector<1x1024xi1>
    %broadcast_in_dim3A_105 = vector.broadcast %broadcast_in_dim3A_104 : vector<1x1024xi1> to vector<512x1024xi1>
    %broadcast_in_dim3A_106 = vector.broadcast %jit3A : f32 to vector<512x1024xf32>
    %select_n3A = arith.select %broadcast_in_dim3A_105, %sub3A_99, %broadcast_in_dim3A_106 : vector<512x1024xi1>, vector<512x1024xf32>
    %min3A = arith.minimumf %broadcast_in_dim3A_70, %select_n3A : vector<512x1024xf32>
    %slice3A_107 = vector.extract_strided_slice %get3A_62 {offsets = [0, 1024], sizes = [1, 1024], strides = [1, 1]} : vector<1x8192xf32> to vector<1x1024xf32>
    %slice3A_108 = vector.extract_strided_slice %get3A_68 {offsets = [0, 1024], sizes = [1, 1024], strides = [1, 1]} : vector<1x8192xf32> to vector<1x1024xf32>
    %convert_element_type3A_109 = arith.truncf %slice3A_107 : vector<1x1024xf32> to vector<1x1024xbf16>
    %convert_element_type3A_110 = arith.extf %convert_element_type3A_109 : vector<1x1024xbf16> to vector<1x1024xf32>
    %convert_element_type3A_111 = arith.truncf %slice3A_108 : vector<1x1024xf32> to vector<1x1024xbf16>
    %convert_element_type3A_112 = arith.extf %convert_element_type3A_111 : vector<1x1024xbf16> to vector<1x1024xf32>
    %mul3A_113 = arith.mulf %slice3A_107, %slice3A_107 : vector<1x1024xf32>
    %mul3A_114 = arith.mulf %slice3A_108, %slice3A_108 : vector<1x1024xf32>
    %add3A_115 = arith.addf %mul3A_113, %mul3A_114 : vector<1x1024xf32>
    %mul3A_116 = vector.broadcast %convert_element_type3A_72 : vector<512x1xf32> to vector<512x1024xf32>
    %mul3A_117 = vector.broadcast %convert_element_type3A_110 : vector<1x1024xf32> to vector<512x1024xf32>
    %mul3A_118 = arith.mulf %mul3A_116, %mul3A_117 : vector<512x1024xf32>
    %mul3A_119 = vector.broadcast %convert_element_type3A_74 : vector<512x1xf32> to vector<512x1024xf32>
    %mul3A_120 = vector.broadcast %convert_element_type3A_112 : vector<1x1024xf32> to vector<512x1024xf32>
    %mul3A_121 = arith.mulf %mul3A_119, %mul3A_120 : vector<512x1024xf32>
    %add3A_122 = arith.addf %mul3A_118, %mul3A_121 : vector<512x1024xf32>
    %add3A_123 = vector.broadcast %add3A_77 : vector<512x1xf32> to vector<512x1024xf32>
    %add3A_124 = vector.broadcast %add3A_115 : vector<1x1024xf32> to vector<512x1024xf32>
    %add3A_125 = arith.addf %add3A_123, %add3A_124 : vector<512x1024xf32>
    %mul3A_126 = arith.constant 2.000000e+00 : f32
    %mul3A_127 = vector.broadcast %mul3A_126 : f32 to vector<512x1024xf32>
    %mul3A_128 = arith.mulf %mul3A_127, %add3A_122 : vector<512x1024xf32>
    %sub3A_129 = arith.subf %add3A_125, %mul3A_128 : vector<512x1024xf32>
    %add3A_130 = arith.constant 1024 : i32
    %add3A_131 = vector.broadcast %add3A_130 : i32 to vector<1x1024xi32>
    %add3A_132 = arith.addi %iota3A_71, %add3A_131 : vector<1x1024xi32>
    %lt3A_133 = vector.broadcast %get3A_56 : i32 to vector<1x1024xi32>
    %lt3A_134 = arith.cmpi slt, %add3A_132, %lt3A_133 : vector<1x1024xi32>
    %jit3A_135 = arith.constant 0x7F800000 : f32
    %broadcast_in_dim3A_136 = vector.shape_cast %lt3A_134 : vector<1x1024xi1> to vector<1x1024xi1>
    %broadcast_in_dim3A_137 = vector.broadcast %broadcast_in_dim3A_136 : vector<1x1024xi1> to vector<512x1024xi1>
    %broadcast_in_dim3A_138 = vector.broadcast %jit3A_135 : f32 to vector<512x1024xf32>
    %select_n3A_139 = arith.select %broadcast_in_dim3A_137, %sub3A_129, %broadcast_in_dim3A_138 : vector<512x1024xi1>, vector<512x1024xf32>
    %min3A_140 = arith.minimumf %min3A, %select_n3A_139 : vector<512x1024xf32>
    %slice3A_141 = vector.extract_strided_slice %get3A_62 {offsets = [0, 2048], sizes = [1, 1024], strides = [1, 1]} : vector<1x8192xf32> to vector<1x1024xf32>
    %slice3A_142 = vector.extract_strided_slice %get3A_68 {offsets = [0, 2048], sizes = [1, 1024], strides = [1, 1]} : vector<1x8192xf32> to vector<1x1024xf32>
    %convert_element_type3A_143 = arith.truncf %slice3A_141 : vector<1x1024xf32> to vector<1x1024xbf16>
    %convert_element_type3A_144 = arith.extf %convert_element_type3A_143 : vector<1x1024xbf16> to vector<1x1024xf32>
    %convert_element_type3A_145 = arith.truncf %slice3A_142 : vector<1x1024xf32> to vector<1x1024xbf16>
    %convert_element_type3A_146 = arith.extf %convert_element_type3A_145 : vector<1x1024xbf16> to vector<1x1024xf32>
    %mul3A_147 = arith.mulf %slice3A_141, %slice3A_141 : vector<1x1024xf32>
    %mul3A_148 = arith.mulf %slice3A_142, %slice3A_142 : vector<1x1024xf32>
    %add3A_149 = arith.addf %mul3A_147, %mul3A_148 : vector<1x1024xf32>
    %mul3A_150 = vector.broadcast %convert_element_type3A_72 : vector<512x1xf32> to vector<512x1024xf32>
    %mul3A_151 = vector.broadcast %convert_element_type3A_144 : vector<1x1024xf32> to vector<512x1024xf32>
    %mul3A_152 = arith.mulf %mul3A_150, %mul3A_151 : vector<512x1024xf32>
    %mul3A_153 = vector.broadcast %convert_element_type3A_74 : vector<512x1xf32> to vector<512x1024xf32>
    %mul3A_154 = vector.broadcast %convert_element_type3A_146 : vector<1x1024xf32> to vector<512x1024xf32>
    %mul3A_155 = arith.mulf %mul3A_153, %mul3A_154 : vector<512x1024xf32>
    %add3A_156 = arith.addf %mul3A_152, %mul3A_155 : vector<512x1024xf32>
    %add3A_157 = vector.broadcast %add3A_77 : vector<512x1xf32> to vector<512x1024xf32>
    %add3A_158 = vector.broadcast %add3A_149 : vector<1x1024xf32> to vector<512x1024xf32>
    %add3A_159 = arith.addf %add3A_157, %add3A_158 : vector<512x1024xf32>
    %mul3A_160 = arith.constant 2.000000e+00 : f32
    %mul3A_161 = vector.broadcast %mul3A_160 : f32 to vector<512x1024xf32>
    %mul3A_162 = arith.mulf %mul3A_161, %add3A_156 : vector<512x1024xf32>
    %sub3A_163 = arith.subf %add3A_159, %mul3A_162 : vector<512x1024xf32>
    %add3A_164 = arith.constant 2048 : i32
    %add3A_165 = vector.broadcast %add3A_164 : i32 to vector<1x1024xi32>
    %add3A_166 = arith.addi %iota3A_71, %add3A_165 : vector<1x1024xi32>
    %lt3A_167 = vector.broadcast %get3A_56 : i32 to vector<1x1024xi32>
    %lt3A_168 = arith.cmpi slt, %add3A_166, %lt3A_167 : vector<1x1024xi32>
    %jit3A_169 = arith.constant 0x7F800000 : f32
    %broadcast_in_dim3A_170 = vector.shape_cast %lt3A_168 : vector<1x1024xi1> to vector<1x1024xi1>
    %broadcast_in_dim3A_171 = vector.broadcast %broadcast_in_dim3A_170 : vector<1x1024xi1> to vector<512x1024xi1>
    %broadcast_in_dim3A_172 = vector.broadcast %jit3A_169 : f32 to vector<512x1024xf32>
    %select_n3A_173 = arith.select %broadcast_in_dim3A_171, %sub3A_163, %broadcast_in_dim3A_172 : vector<512x1024xi1>, vector<512x1024xf32>
    %min3A_174 = arith.minimumf %min3A_140, %select_n3A_173 : vector<512x1024xf32>
    %slice3A_175 = vector.extract_strided_slice %get3A_62 {offsets = [0, 3072], sizes = [1, 1024], strides = [1, 1]} : vector<1x8192xf32> to vector<1x1024xf32>
    %slice3A_176 = vector.extract_strided_slice %get3A_68 {offsets = [0, 3072], sizes = [1, 1024], strides = [1, 1]} : vector<1x8192xf32> to vector<1x1024xf32>
    %convert_element_type3A_177 = arith.truncf %slice3A_175 : vector<1x1024xf32> to vector<1x1024xbf16>
    %convert_element_type3A_178 = arith.extf %convert_element_type3A_177 : vector<1x1024xbf16> to vector<1x1024xf32>
    %convert_element_type3A_179 = arith.truncf %slice3A_176 : vector<1x1024xf32> to vector<1x1024xbf16>
    %convert_element_type3A_180 = arith.extf %convert_element_type3A_179 : vector<1x1024xbf16> to vector<1x1024xf32>
    %mul3A_181 = arith.mulf %slice3A_175, %slice3A_175 : vector<1x1024xf32>
    %mul3A_182 = arith.mulf %slice3A_176, %slice3A_176 : vector<1x1024xf32>
    %add3A_183 = arith.addf %mul3A_181, %mul3A_182 : vector<1x1024xf32>
    %mul3A_184 = vector.broadcast %convert_element_type3A_72 : vector<512x1xf32> to vector<512x1024xf32>
    %mul3A_185 = vector.broadcast %convert_element_type3A_178 : vector<1x1024xf32> to vector<512x1024xf32>
    %mul3A_186 = arith.mulf %mul3A_184, %mul3A_185 : vector<512x1024xf32>
    %mul3A_187 = vector.broadcast %convert_element_type3A_74 : vector<512x1xf32> to vector<512x1024xf32>
    %mul3A_188 = vector.broadcast %convert_element_type3A_180 : vector<1x1024xf32> to vector<512x1024xf32>
    %mul3A_189 = arith.mulf %mul3A_187, %mul3A_188 : vector<512x1024xf32>
    %add3A_190 = arith.addf %mul3A_186, %mul3A_189 : vector<512x1024xf32>
    %add3A_191 = vector.broadcast %add3A_77 : vector<512x1xf32> to vector<512x1024xf32>
    %add3A_192 = vector.broadcast %add3A_183 : vector<1x1024xf32> to vector<512x1024xf32>
    %add3A_193 = arith.addf %add3A_191, %add3A_192 : vector<512x1024xf32>
    %mul3A_194 = arith.constant 2.000000e+00 : f32
    %mul3A_195 = vector.broadcast %mul3A_194 : f32 to vector<512x1024xf32>
    %mul3A_196 = arith.mulf %mul3A_195, %add3A_190 : vector<512x1024xf32>
    %sub3A_197 = arith.subf %add3A_193, %mul3A_196 : vector<512x1024xf32>
    %add3A_198 = arith.constant 3072 : i32
    %add3A_199 = vector.broadcast %add3A_198 : i32 to vector<1x1024xi32>
    %add3A_200 = arith.addi %iota3A_71, %add3A_199 : vector<1x1024xi32>
    %lt3A_201 = vector.broadcast %get3A_56 : i32 to vector<1x1024xi32>
    %lt3A_202 = arith.cmpi slt, %add3A_200, %lt3A_201 : vector<1x1024xi32>
    %jit3A_203 = arith.constant 0x7F800000 : f32
    %broadcast_in_dim3A_204 = vector.shape_cast %lt3A_202 : vector<1x1024xi1> to vector<1x1024xi1>
    %broadcast_in_dim3A_205 = vector.broadcast %broadcast_in_dim3A_204 : vector<1x1024xi1> to vector<512x1024xi1>
    %broadcast_in_dim3A_206 = vector.broadcast %jit3A_203 : f32 to vector<512x1024xf32>
    %select_n3A_207 = arith.select %broadcast_in_dim3A_205, %sub3A_197, %broadcast_in_dim3A_206 : vector<512x1024xi1>, vector<512x1024xf32>
    %min3A_208 = arith.minimumf %min3A_174, %select_n3A_207 : vector<512x1024xf32>
    %slice3A_209 = vector.extract_strided_slice %get3A_62 {offsets = [0, 4096], sizes = [1, 1024], strides = [1, 1]} : vector<1x8192xf32> to vector<1x1024xf32>
    %slice3A_210 = vector.extract_strided_slice %get3A_68 {offsets = [0, 4096], sizes = [1, 1024], strides = [1, 1]} : vector<1x8192xf32> to vector<1x1024xf32>
    %convert_element_type3A_211 = arith.truncf %slice3A_209 : vector<1x1024xf32> to vector<1x1024xbf16>
    %convert_element_type3A_212 = arith.extf %convert_element_type3A_211 : vector<1x1024xbf16> to vector<1x1024xf32>
    %convert_element_type3A_213 = arith.truncf %slice3A_210 : vector<1x1024xf32> to vector<1x1024xbf16>
    %convert_element_type3A_214 = arith.extf %convert_element_type3A_213 : vector<1x1024xbf16> to vector<1x1024xf32>
    %mul3A_215 = arith.mulf %slice3A_209, %slice3A_209 : vector<1x1024xf32>
    %mul3A_216 = arith.mulf %slice3A_210, %slice3A_210 : vector<1x1024xf32>
    %add3A_217 = arith.addf %mul3A_215, %mul3A_216 : vector<1x1024xf32>
    %mul3A_218 = vector.broadcast %convert_element_type3A_72 : vector<512x1xf32> to vector<512x1024xf32>
    %mul3A_219 = vector.broadcast %convert_element_type3A_212 : vector<1x1024xf32> to vector<512x1024xf32>
    %mul3A_220 = arith.mulf %mul3A_218, %mul3A_219 : vector<512x1024xf32>
    %mul3A_221 = vector.broadcast %convert_element_type3A_74 : vector<512x1xf32> to vector<512x1024xf32>
    %mul3A_222 = vector.broadcast %convert_element_type3A_214 : vector<1x1024xf32> to vector<512x1024xf32>
    %mul3A_223 = arith.mulf %mul3A_221, %mul3A_222 : vector<512x1024xf32>
    %add3A_224 = arith.addf %mul3A_220, %mul3A_223 : vector<512x1024xf32>
    %add3A_225 = vector.broadcast %add3A_77 : vector<512x1xf32> to vector<512x1024xf32>
    %add3A_226 = vector.broadcast %add3A_217 : vector<1x1024xf32> to vector<512x1024xf32>
    %add3A_227 = arith.addf %add3A_225, %add3A_226 : vector<512x1024xf32>
    %mul3A_228 = arith.constant 2.000000e+00 : f32
    %mul3A_229 = vector.broadcast %mul3A_228 : f32 to vector<512x1024xf32>
    %mul3A_230 = arith.mulf %mul3A_229, %add3A_224 : vector<512x1024xf32>
    %sub3A_231 = arith.subf %add3A_227, %mul3A_230 : vector<512x1024xf32>
    %add3A_232 = arith.constant 4096 : i32
    %add3A_233 = vector.broadcast %add3A_232 : i32 to vector<1x1024xi32>
    %add3A_234 = arith.addi %iota3A_71, %add3A_233 : vector<1x1024xi32>
    %lt3A_235 = vector.broadcast %get3A_56 : i32 to vector<1x1024xi32>
    %lt3A_236 = arith.cmpi slt, %add3A_234, %lt3A_235 : vector<1x1024xi32>
    %jit3A_237 = arith.constant 0x7F800000 : f32
    %broadcast_in_dim3A_238 = vector.shape_cast %lt3A_236 : vector<1x1024xi1> to vector<1x1024xi1>
    %broadcast_in_dim3A_239 = vector.broadcast %broadcast_in_dim3A_238 : vector<1x1024xi1> to vector<512x1024xi1>
    %broadcast_in_dim3A_240 = vector.broadcast %jit3A_237 : f32 to vector<512x1024xf32>
    %select_n3A_241 = arith.select %broadcast_in_dim3A_239, %sub3A_231, %broadcast_in_dim3A_240 : vector<512x1024xi1>, vector<512x1024xf32>
    %min3A_242 = arith.minimumf %min3A_208, %select_n3A_241 : vector<512x1024xf32>
    %slice3A_243 = vector.extract_strided_slice %get3A_62 {offsets = [0, 5120], sizes = [1, 1024], strides = [1, 1]} : vector<1x8192xf32> to vector<1x1024xf32>
    %slice3A_244 = vector.extract_strided_slice %get3A_68 {offsets = [0, 5120], sizes = [1, 1024], strides = [1, 1]} : vector<1x8192xf32> to vector<1x1024xf32>
    %convert_element_type3A_245 = arith.truncf %slice3A_243 : vector<1x1024xf32> to vector<1x1024xbf16>
    %convert_element_type3A_246 = arith.extf %convert_element_type3A_245 : vector<1x1024xbf16> to vector<1x1024xf32>
    %convert_element_type3A_247 = arith.truncf %slice3A_244 : vector<1x1024xf32> to vector<1x1024xbf16>
    %convert_element_type3A_248 = arith.extf %convert_element_type3A_247 : vector<1x1024xbf16> to vector<1x1024xf32>
    %mul3A_249 = arith.mulf %slice3A_243, %slice3A_243 : vector<1x1024xf32>
    %mul3A_250 = arith.mulf %slice3A_244, %slice3A_244 : vector<1x1024xf32>
    %add3A_251 = arith.addf %mul3A_249, %mul3A_250 : vector<1x1024xf32>
    %mul3A_252 = vector.broadcast %convert_element_type3A_72 : vector<512x1xf32> to vector<512x1024xf32>
    %mul3A_253 = vector.broadcast %convert_element_type3A_246 : vector<1x1024xf32> to vector<512x1024xf32>
    %mul3A_254 = arith.mulf %mul3A_252, %mul3A_253 : vector<512x1024xf32>
    %mul3A_255 = vector.broadcast %convert_element_type3A_74 : vector<512x1xf32> to vector<512x1024xf32>
    %mul3A_256 = vector.broadcast %convert_element_type3A_248 : vector<1x1024xf32> to vector<512x1024xf32>
    %mul3A_257 = arith.mulf %mul3A_255, %mul3A_256 : vector<512x1024xf32>
    %add3A_258 = arith.addf %mul3A_254, %mul3A_257 : vector<512x1024xf32>
    %add3A_259 = vector.broadcast %add3A_77 : vector<512x1xf32> to vector<512x1024xf32>
    %add3A_260 = vector.broadcast %add3A_251 : vector<1x1024xf32> to vector<512x1024xf32>
    %add3A_261 = arith.addf %add3A_259, %add3A_260 : vector<512x1024xf32>
    %mul3A_262 = arith.constant 2.000000e+00 : f32
    %mul3A_263 = vector.broadcast %mul3A_262 : f32 to vector<512x1024xf32>
    %mul3A_264 = arith.mulf %mul3A_263, %add3A_258 : vector<512x1024xf32>
    %sub3A_265 = arith.subf %add3A_261, %mul3A_264 : vector<512x1024xf32>
    %add3A_266 = arith.constant 5120 : i32
    %add3A_267 = vector.broadcast %add3A_266 : i32 to vector<1x1024xi32>
    %add3A_268 = arith.addi %iota3A_71, %add3A_267 : vector<1x1024xi32>
    %lt3A_269 = vector.broadcast %get3A_56 : i32 to vector<1x1024xi32>
    %lt3A_270 = arith.cmpi slt, %add3A_268, %lt3A_269 : vector<1x1024xi32>
    %jit3A_271 = arith.constant 0x7F800000 : f32
    %broadcast_in_dim3A_272 = vector.shape_cast %lt3A_270 : vector<1x1024xi1> to vector<1x1024xi1>
    %broadcast_in_dim3A_273 = vector.broadcast %broadcast_in_dim3A_272 : vector<1x1024xi1> to vector<512x1024xi1>
    %broadcast_in_dim3A_274 = vector.broadcast %jit3A_271 : f32 to vector<512x1024xf32>
    %select_n3A_275 = arith.select %broadcast_in_dim3A_273, %sub3A_265, %broadcast_in_dim3A_274 : vector<512x1024xi1>, vector<512x1024xf32>
    %min3A_276 = arith.minimumf %min3A_242, %select_n3A_275 : vector<512x1024xf32>
    %slice3A_277 = vector.extract_strided_slice %get3A_62 {offsets = [0, 6144], sizes = [1, 1024], strides = [1, 1]} : vector<1x8192xf32> to vector<1x1024xf32>
    %slice3A_278 = vector.extract_strided_slice %get3A_68 {offsets = [0, 6144], sizes = [1, 1024], strides = [1, 1]} : vector<1x8192xf32> to vector<1x1024xf32>
    %convert_element_type3A_279 = arith.truncf %slice3A_277 : vector<1x1024xf32> to vector<1x1024xbf16>
    %convert_element_type3A_280 = arith.extf %convert_element_type3A_279 : vector<1x1024xbf16> to vector<1x1024xf32>
    %convert_element_type3A_281 = arith.truncf %slice3A_278 : vector<1x1024xf32> to vector<1x1024xbf16>
    %convert_element_type3A_282 = arith.extf %convert_element_type3A_281 : vector<1x1024xbf16> to vector<1x1024xf32>
    %mul3A_283 = arith.mulf %slice3A_277, %slice3A_277 : vector<1x1024xf32>
    %mul3A_284 = arith.mulf %slice3A_278, %slice3A_278 : vector<1x1024xf32>
    %add3A_285 = arith.addf %mul3A_283, %mul3A_284 : vector<1x1024xf32>
    %mul3A_286 = vector.broadcast %convert_element_type3A_72 : vector<512x1xf32> to vector<512x1024xf32>
    %mul3A_287 = vector.broadcast %convert_element_type3A_280 : vector<1x1024xf32> to vector<512x1024xf32>
    %mul3A_288 = arith.mulf %mul3A_286, %mul3A_287 : vector<512x1024xf32>
    %mul3A_289 = vector.broadcast %convert_element_type3A_74 : vector<512x1xf32> to vector<512x1024xf32>
    %mul3A_290 = vector.broadcast %convert_element_type3A_282 : vector<1x1024xf32> to vector<512x1024xf32>
    %mul3A_291 = arith.mulf %mul3A_289, %mul3A_290 : vector<512x1024xf32>
    %add3A_292 = arith.addf %mul3A_288, %mul3A_291 : vector<512x1024xf32>
    %add3A_293 = vector.broadcast %add3A_77 : vector<512x1xf32> to vector<512x1024xf32>
    %add3A_294 = vector.broadcast %add3A_285 : vector<1x1024xf32> to vector<512x1024xf32>
    %add3A_295 = arith.addf %add3A_293, %add3A_294 : vector<512x1024xf32>
    %mul3A_296 = arith.constant 2.000000e+00 : f32
    %mul3A_297 = vector.broadcast %mul3A_296 : f32 to vector<512x1024xf32>
    %mul3A_298 = arith.mulf %mul3A_297, %add3A_292 : vector<512x1024xf32>
    %sub3A_299 = arith.subf %add3A_295, %mul3A_298 : vector<512x1024xf32>
    %add3A_300 = arith.constant 6144 : i32
    %add3A_301 = vector.broadcast %add3A_300 : i32 to vector<1x1024xi32>
    %add3A_302 = arith.addi %iota3A_71, %add3A_301 : vector<1x1024xi32>
    %lt3A_303 = vector.broadcast %get3A_56 : i32 to vector<1x1024xi32>
    %lt3A_304 = arith.cmpi slt, %add3A_302, %lt3A_303 : vector<1x1024xi32>
    %jit3A_305 = arith.constant 0x7F800000 : f32
    %broadcast_in_dim3A_306 = vector.shape_cast %lt3A_304 : vector<1x1024xi1> to vector<1x1024xi1>
    %broadcast_in_dim3A_307 = vector.broadcast %broadcast_in_dim3A_306 : vector<1x1024xi1> to vector<512x1024xi1>
    %broadcast_in_dim3A_308 = vector.broadcast %jit3A_305 : f32 to vector<512x1024xf32>
    %select_n3A_309 = arith.select %broadcast_in_dim3A_307, %sub3A_299, %broadcast_in_dim3A_308 : vector<512x1024xi1>, vector<512x1024xf32>
    %min3A_310 = arith.minimumf %min3A_276, %select_n3A_309 : vector<512x1024xf32>
    %slice3A_311 = vector.extract_strided_slice %get3A_62 {offsets = [0, 7168], sizes = [1, 1024], strides = [1, 1]} : vector<1x8192xf32> to vector<1x1024xf32>
    %slice3A_312 = vector.extract_strided_slice %get3A_68 {offsets = [0, 7168], sizes = [1, 1024], strides = [1, 1]} : vector<1x8192xf32> to vector<1x1024xf32>
    %convert_element_type3A_313 = arith.truncf %slice3A_311 : vector<1x1024xf32> to vector<1x1024xbf16>
    %convert_element_type3A_314 = arith.extf %convert_element_type3A_313 : vector<1x1024xbf16> to vector<1x1024xf32>
    %convert_element_type3A_315 = arith.truncf %slice3A_312 : vector<1x1024xf32> to vector<1x1024xbf16>
    %convert_element_type3A_316 = arith.extf %convert_element_type3A_315 : vector<1x1024xbf16> to vector<1x1024xf32>
    %mul3A_317 = arith.mulf %slice3A_311, %slice3A_311 : vector<1x1024xf32>
    %mul3A_318 = arith.mulf %slice3A_312, %slice3A_312 : vector<1x1024xf32>
    %add3A_319 = arith.addf %mul3A_317, %mul3A_318 : vector<1x1024xf32>
    %mul3A_320 = vector.broadcast %convert_element_type3A_72 : vector<512x1xf32> to vector<512x1024xf32>
    %mul3A_321 = vector.broadcast %convert_element_type3A_314 : vector<1x1024xf32> to vector<512x1024xf32>
    %mul3A_322 = arith.mulf %mul3A_320, %mul3A_321 : vector<512x1024xf32>
    %mul3A_323 = vector.broadcast %convert_element_type3A_74 : vector<512x1xf32> to vector<512x1024xf32>
    %mul3A_324 = vector.broadcast %convert_element_type3A_316 : vector<1x1024xf32> to vector<512x1024xf32>
    %mul3A_325 = arith.mulf %mul3A_323, %mul3A_324 : vector<512x1024xf32>
    %add3A_326 = arith.addf %mul3A_322, %mul3A_325 : vector<512x1024xf32>
    %add3A_327 = vector.broadcast %add3A_77 : vector<512x1xf32> to vector<512x1024xf32>
    %add3A_328 = vector.broadcast %add3A_319 : vector<1x1024xf32> to vector<512x1024xf32>
    %add3A_329 = arith.addf %add3A_327, %add3A_328 : vector<512x1024xf32>
    %mul3A_330 = arith.constant 2.000000e+00 : f32
    %mul3A_331 = vector.broadcast %mul3A_330 : f32 to vector<512x1024xf32>
    %mul3A_332 = arith.mulf %mul3A_331, %add3A_326 : vector<512x1024xf32>
    %sub3A_333 = arith.subf %add3A_329, %mul3A_332 : vector<512x1024xf32>
    %add3A_334 = arith.constant 7168 : i32
    %add3A_335 = vector.broadcast %add3A_334 : i32 to vector<1x1024xi32>
    %add3A_336 = arith.addi %iota3A_71, %add3A_335 : vector<1x1024xi32>
    %lt3A_337 = vector.broadcast %get3A_56 : i32 to vector<1x1024xi32>
    %lt3A_338 = arith.cmpi slt, %add3A_336, %lt3A_337 : vector<1x1024xi32>
    %jit3A_339 = arith.constant 0x7F800000 : f32
    %broadcast_in_dim3A_340 = vector.shape_cast %lt3A_338 : vector<1x1024xi1> to vector<1x1024xi1>
    %broadcast_in_dim3A_341 = vector.broadcast %broadcast_in_dim3A_340 : vector<1x1024xi1> to vector<512x1024xi1>
    %broadcast_in_dim3A_342 = vector.broadcast %jit3A_339 : f32 to vector<512x1024xf32>
    %select_n3A_343 = arith.select %broadcast_in_dim3A_341, %sub3A_333, %broadcast_in_dim3A_342 : vector<512x1024xi1>, vector<512x1024xf32>
    %min3A_344 = arith.minimumf %min3A_310, %select_n3A_343 : vector<512x1024xf32>
    %reduce_min3A = arith.constant dense<0x7F800000> : vector<512xf32>
    %reduce_min3A_345 = vector.multi_reduction <minimumf>, %min3A_344, %reduce_min3A [1] : vector<512x1024xf32> to vector<512xf32>
    %broadcast_in_dim3A_346 = vector.shape_cast %reduce_min3A_345 : vector<512xf32> to vector<512x1xf32>
    %jit3A_347 = arith.constant 0.000000e+00 : f32
    %broadcast_in_dim3A_348 = vector.broadcast %jit3A_347 : f32 to vector<512x1xf32>
    %select_n3A_349 = arith.select %ge3A_52, %broadcast_in_dim3A_346, %broadcast_in_dim3A_348 : vector<512x1xi1>, vector<512x1xf32>
    %reduce_sum3A = vector.shape_cast %select_n3A_349 : vector<512x1xf32> to vector<1x512x1xf32>
    %reduce_sum3A_350 = arith.constant dense<0.000000e+00> : vector<1xf32>
    %reduce_sum3A_351 = vector.multi_reduction <add>, %reduce_sum3A, %reduce_sum3A_350 [1, 2] : vector<1x512x1xf32> to vector<1xf32>
    %reduce_sum3A_352 = vector.shape_cast %reduce_sum3A_351 : vector<1xf32> to vector<1x1x1xf32>
    %reduce_sum3A_353 = vector.extract %reduce_sum3A_352[0, 0, 0] : f32 from vector<1x1x1xf32>
    %convert_element_type3A_354 = arith.extui %ge3A_52 : vector<512x1xi1> to vector<512x1xi32>
    %convert_element_type3A_355 = arith.sitofp %convert_element_type3A_354 : vector<512x1xi32> to vector<512x1xf32>
    %reduce_sum3A_356 = vector.shape_cast %convert_element_type3A_355 : vector<512x1xf32> to vector<1x512x1xf32>
    %reduce_sum3A_357 = arith.constant dense<0.000000e+00> : vector<1xf32>
    %reduce_sum3A_358 = vector.multi_reduction <add>, %reduce_sum3A_356, %reduce_sum3A_357 [1, 2] : vector<1x512x1xf32> to vector<1xf32>
    %reduce_sum3A_359 = vector.shape_cast %reduce_sum3A_358 : vector<1xf32> to vector<1x1x1xf32>
    %reduce_sum3A_360 = vector.extract %reduce_sum3A_359[0, 0, 0] : f32 from vector<1x1x1xf32>
    %max3A = arith.constant 1.000000e+00 : f32
    %max3A_361 = arith.maximumf %reduce_sum3A_360, %max3A : f32
    %div3A = arith.divf %reduce_sum3A_353, %max3A_361 : f32
    %eq3A = arith.constant 0 : i32
    %eq3A_362 = arith.cmpi eq, %arg1, %eq3A : i32
    %convert_element_type3A_363 = arith.extui %eq3A_362 : i1 to i32
    %cond3A = arith.constant 0 : i32
    %cond3A_364 = arith.cmpi ne, %convert_element_type3A_363, %cond3A : i32
    scf.if %cond3A_364 {
      %broadcast_in_dim3A_377 = arith.constant 0.000000e+00 : f32
      %broadcast_in_dim3A_378 = vector.broadcast %broadcast_in_dim3A_377 : f32 to vector<1x8x128xf32>
      %swap3A_379 = arith.constant 0 : index
      %swap3A_380 = arith.constant 0 : index
      %swap3A_381 = arith.constant 0 : index
      %swap3A_382 = vector.load %arg7[%swap3A_379, %swap3A_380, %swap3A_381] : memref<1x8x128xf32, #tpu.memory_space<vmem>>, vector<1x8x128xf32>
      tpu.vector_store %arg7[%swap3A_379, %swap3A_380, %swap3A_381], %broadcast_in_dim3A_378 {strides = array<i32>} : memref<1x8x128xf32, #tpu.memory_space<vmem>>, vector<1x8x128xf32>,
    } else {
    }
    %get3A_365 = arith.constant 0 : index
    %get3A_366 = arith.constant 0 : index
    %get3A_367 = arith.constant 0 : index
    %get3A_368 = vector.load %arg7[%get3A_365, %get3A_366, %get3A_367] : memref<1x8x128xf32, #tpu.memory_space<vmem>>, vector<1x8x128xf32>
    %mul3A_369 = arith.constant 0.0833333358 : f32
    %mul3A_370 = arith.mulf %div3A, %mul3A_369 : f32
    %broadcast_in_dim3A_371 = vector.broadcast %mul3A_370 : f32 to vector<1x8x128xf32>
    %add3A_372 = arith.addf %get3A_368, %broadcast_in_dim3A_371 : vector<1x8x128xf32>
    %swap3A_373 = arith.constant 0 : index
    %swap3A_374 = arith.constant 0 : index
    %swap3A_375 = arith.constant 0 : index
    %swap3A_376 = vector.load %arg7[%swap3A_373, %swap3A_374, %swap3A_375] : memref<1x8x128xf32, #tpu.memory_space<vmem>>, vector<1x8x128xf32>
    tpu.vector_store %arg7[%swap3A_373, %swap3A_374, %swap3A_375], %add3A_372 {strides = array<i32>} : memref<1x8x128xf32, #tpu.memory_space<vmem>>, vector<1x8x128xf32>,
    return
  }
  func.func @transform_0(%arg0: i32, %arg1: i32) -> (i32, i32, i32, i32) {
    %c0_i32 = arith.constant 0 : i32
    %c0_i32_0 = arith.constant 0 : i32
    %c0_i32_1 = arith.constant 0 : i32
    %c0_i32_2 = arith.constant 0 : i32
    return %arg0, %c0_i32, %c0_i32_0, %c0_i32_1 : i32, i32, i32, i32
  }
  func.func @transform_1(%arg0: i32, %arg1: i32) -> (i32, i32, i32) {
    %c0_i32 = arith.constant 0 : i32
    %c0_i32_0 = arith.constant 0 : i32
    %c0_i32_1 = arith.constant 0 : i32
    return %arg0, %c0_i32, %c0_i32_0 : i32, i32, i32
  }
  func.func @transform_2(%arg0: i32, %arg1: i32) -> (i32, i32, i32, i32, i32) {
    %c0_i32 = arith.constant 0 : i32
    %c0_i32_0 = arith.constant 0 : i32
    %c0_i32_1 = arith.constant 0 : i32
    %c0_i32_2 = arith.constant 0 : i32
    return %arg0, %arg1, %c0_i32, %c0_i32_0, %c0_i32_1 : i32, i32, i32, i32, i32
  }
  func.func @transform_3(%arg0: i32, %arg1: i32) -> (i32, i32, i32, i32) {
    %c0_i32 = arith.constant 0 : i32
    %c0_i32_0 = arith.constant 0 : i32
    %c0_i32_1 = arith.constant 0 : i32
    return %arg0, %arg1, %c0_i32, %c0_i32_0 : i32, i32, i32, i32
  }
  func.func @transform_4(%arg0: i32, %arg1: i32) -> (i32, i32, i32, i32) {
    %c0_i32 = arith.constant 0 : i32
    %c0_i32_0 = arith.constant 0 : i32
    %c0_i32_1 = arith.constant 0 : i32
    return %arg0, %arg1, %c0_i32, %c0_i32_0 : i32, i32, i32, i32
  }
  func.func @transform_5(%arg0: i32, %arg1: i32) -> (i32, i32, i32) {
    %c0_i32 = arith.constant 0 : i32
    %c0_i32_0 = arith.constant 0 : i32
    %c0_i32_1 = arith.constant 0 : i32
    return %arg0, %c0_i32, %c0_i32_0 : i32, i32, i32
  }
}

</mosaic_0001>

<sc_bundles>
// kernel: kernel.4.cloned.1.call-start
scs
__scs_entry_jumppad:
0x0: {  	(pc) =	sbr.rel $0x88, $3  }
0x1: {  	(tag) =	ssettag $0x0;
	lr =	simm.s32 $0x1  }
0x2: {  	[smem:$0x3F9B] =	sst lr;
	_ =	strace $0xD0000000  }
0x3: {  	_ = 	snop  }
0x4: {  	_ = 	snop  }
0x5: {  	_ = 	snop  }
0x6: {  	_ = 	snop  }
0x7: {  	_ = 	snop  }
__scs_overlays_trampoline_lowered:
0x8: {  	[smem:$0x3FAA] =	sst s0  }
0x9: {  	[smem:$0x3FAB] =	sst s1  }
0xa: {  	[smem:$0x3FAC] =	sst s2  }
0xb: {  	[smem:$0x3FAD] =	sst s3  }
0xc: {  	[smem:$0x3FAE] =	sst s4  }
0xd: {  	[smem:$0x3FAF] =	sst s5  }
0xe: {  	[smem:$0x3FB0] =	sst s6  }
0xf: {  	[smem:$0x3FB1] =	sst s7  }
0x10: {  	[smem:$0x3FB2] =	sst s8  }
0x11: {  	[smem:$0x3FB3] =	sst s9;
	s0 =	simm.s32 @!p0 $0x0  }
0x12: {  	s1 =	sld [smem:$0x3F99];
	s0 =	simm.s32 @p0 $0x1  }
0x13: {  	[smem:$0x3FB4] =	sst s0;
	s0 =	simm.s32 @!p1 $0x0  }
0x14: {  	s2 =	sld [smem:$0x3F98];
	s0 =	simm.s32 @p1 $0x1  }
0x15: {  	[smem:$0x3FB5] =	sst s0;
	s0 =	simm.s32 @!p2 $0x0  }
0x16: {  	s3 =	sld [smem:$0x3FDB];
	s0 =	simm.s32 @p2 $0x1  }
0x17: {  	s4 =	simm.s32 $0x1BF5;
	[smem:$0x3FB7] =	sst s0  }
0x18: {  	s0 =	sld [smem:$0x3F9A];
	_ =	swait.ge [sflag:s4], $0x0  }
0x19: {  	s7 =	sld [smem:$0x3F9B]  }
0x1a: {  	s8 =	sadd.s32 $0xFFFFE003, lr  }
0x1b: {  	s9 =	sadd.s32 $0xFFFFFEF7, lr;
	s5 =	simm.s32 $0xFFFFFFFF;
	p2 =	slt.u32 s8, $0xFFFFF086  }
0x1c: {  	p1 =	slt.u32 s9, $0xF7A;
	s5 =	simm.s32 @!p2 $0x0  }
0x1d: {  	s5 =	simm.s32 @p1 $0x1;
	p0 =	seq.s32 s7, s2  }
0x1e: {  	s7 =	smul.u32 @!p0 $0xF7A, s2;
	p2 =	seq.s32 @!p0 s5, $0x0  }
0x1f: {  	s9 =	smul.u32 $0xF7A, s1;
	s8 =	simm.s32 @!p0 $0x1BF5;
	p2 =	por !p2, p0  }
0x20: {  	[sflag:s8] =	ssyncset.s32 @!p0 $0xFFFFF086;
	s6 =	sadd.s32 @!p0 s3, s7;
	s7 =	simm.s32 @!p0 $0x108  }
0x21: {  	s3 =	sadd.s32 s3, s9;
	s6 =	sadd.s32 @!p0 $0x88, s6;
	s7 =	simm.s32 @p2 $0x1082  }
0x22: {  	[simem:s7], [sflag:s8] =	dma.local @!p0 [hbm:s6], $0xF7A  }
0x23: {  	s9 =	sor.u32 $0xD0000000, s2;
	s6 =	simm.s32 $0x108;
	_ =	swait.ge @!p0 [sflag:s8], $0x0  }
0x24: {  	s3 =	sadd.s32 $0x88, s3;
	s6 =	simm.s32 @!p1 $0x1082;
	[sflag:s4] =	ssyncset.s32 $0xFFFFF086  }
0x25: {  	[simem:s6], [sflag:s4] =	dma.local [hbm:s3], $0xF7A  }
0x26: {  	[smem:$0x3F9B] =	sst s1;
	(tag) =	ssettag s2;
	_ =	strace s9  }
0x27: {  	s1 =	sld [smem:$0x3FAB]  }
0x28: {  	s2 =	sld [smem:$0x3FAC]  }
0x29: {  	s4 =	sld [smem:$0x3FAE]  }
0x2a: {  	p0 =	seq.s32 s5, $0x0;
	s5 =	sld [smem:$0x3FAF]  }
0x2b: {  	s6 =	sld [smem:$0x3FB0]  }
0x2c: {  	s7 =	sld [smem:$0x3FB1]  }
0x2d: {  	s3 =	simm.s32 $0x108;
	s8 =	sld [smem:$0x3FB2]  }
0x2e: {  	s3 =	simm.s32 @!p0 $0x1082;
	s9 =	sld [smem:$0x3FB3]  }
0x2f: {  	lr =	sadd.s32 s0, s3;
	s0 =	sld [smem:$0x3FAA]  }
0x30: {  	s3 =	sld [smem:$0x3FAD]  }
0x31: {  	[smem:$0x3FB6] =	sst s10  }
0x32: {  	s10 =	sld [smem:$0x3FB4];
	_ =	sdelay $0x3  }
0x33: {  	p0 =	seq.s32 s10, $0x1;
	s10 =	sld [smem:$0x3FB6];
	_ =	sdelay $0x3  }
0x34: {  	[smem:$0x3FB6] =	sst s10  }
0x35: {  	s10 =	sld [smem:$0x3FB5];
	_ =	sdelay $0x3  }
0x36: {  	p1 =	seq.s32 s10, $0x1;
	s10 =	sld [smem:$0x3FB6];
	_ =	sdelay $0x3  }
0x37: {  	[smem:$0x3FB6] =	sst s10  }
0x38: {  	s10 =	sld [smem:$0x3FB7]  }
0x39: {  	_ = 	snop;
	(pc) =	sbr.ind lr, $3  }
0x3a: {  	_ = 	snop  }
0x3b: {  	_ = 	snop  }
0x3c: {  	p2 =	seq.s32 s10, $0x1;
	s10 =	sld [smem:$0x3FB6]  }
0x3d: {  	_ =	shalt  }
0x3e: {  	_ =	shalt  }
0x3f: {  	_ =	shalt  }
0x40: {  	_ =	shalt  }
0x41: {  	_ =	shalt  }
0x42: {  	_ =	shalt  }
0x43: {  	_ =	shalt  }
0x44: {  	_ =	shalt  }
0x45: {  	_ =	shalt  }
0x46: {  	_ =	shalt  }
0x47: {  	_ =	shalt  }
0x48: {  	_ =	shalt  }
0x49: {  	_ =	shalt  }
0x4a: {  	_ =	shalt  }
0x4b: {  	_ =	shalt  }
0x4c: {  	_ =	shalt  }
0x4d: {  	_ =	shalt  }
0x4e: {  	_ =	shalt  }
0x4f: {  	_ =	shalt  }
0x50: {  	_ =	shalt  }
0x51: {  	_ =	shalt  }
0x52: {  	_ =	shalt  }
0x53: {  	_ =	shalt  }
0x54: {  	_ =	shalt  }
0x55: {  	_ =	shalt  }
0x56: {  	_ =	shalt  }
0x57: {  	_ =	shalt  }
0x58: {  	_ =	shalt  }
0x59: {  	_ =	shalt  }
0x5a: {  	_ =	shalt  }
0x5b: {  	_ =	shalt  }
0x5c: {  	_ =	shalt  }
0x5d: {  	_ =	shalt  }
0x5e: {  	_ =	shalt  }
0x5f: {  	_ =	shalt  }
0x60: {  	_ =	shalt  }
0x61: {  	_ =	shalt  }
0x62: {  	_ =	shalt  }
0x63: {  	_ =	shalt  }
0x64: {  	_ =	shalt  }
0x65: {  	_ =	shalt  }
0x66: {  	_ =	shalt  }
0x67: {  	_ =	shalt  }
0x68: {  	_ =	shalt  }
0x69: {  	_ =	shalt  }
0x6a: {  	_ =	shalt  }
0x6b: {  	_ =	shalt  }
0x6c: {  	_ =	shalt  }
0x6d: {  	_ =	shalt  }
0x6e: {  	_ =	shalt  }
0x6f: {  	_ =	shalt  }
0x70: {  	_ =	shalt  }
0x71: {  	_ =	shalt  }
0x72: {  	_ =	shalt  }
0x73: {  	_ =	shalt  }
0x74: {  	_ =	shalt  }
0x75: {  	_ =	shalt  }
0x76: {  	_ =	shalt  }
0x77: {  	_ =	shalt  }
0x78: {  	_ =	shalt  }
0x79: {  	_ =	shalt  }
0x7a: {  	_ =	shalt  }
0x7b: {  	_ =	shalt  }
0x7c: {  	_ =	shalt  }
0x7d: {  	_ =	shalt  }
0x7e: {  	_ =	shalt  }
0x7f: {  	_ =	shalt  }
0x80: {  	_ =	shalt  }
0x81: {  	_ =	shalt  }
0x82: {  	_ =	shalt  }
0x83: {  	_ =	shalt  }
0x84: {  	_ =	shalt  }
0x85: {  	_ =	shalt  }
0x86: {  	_ =	shalt  }
0x87: {  	_ =	shalt  }
.Lfunc_end0:
.L_simem_size_0:
called_computation_lowered:
.L_overlay_start_0:
0x88: {  	s2 =	sld [smem:$0x3FD9]  }
0x89: {  	s3 =	sld [smem:$0x3FFE];
	_ =	sdelay $0x1  }
0x8a: {  	s1 =	srdreg.scid  }
0x8b: {  	s0 =	sand.u32 $0x1, s1  }
0x8c: {  	s16 =	sshll.u32 s0, $0xA;
	s2 =	sadd.s32 s3, s2  }
0x8d: {  	s2 =	sadd.s32 s2, s16  }
0x8e: {  	[smem:$0x3FC2] =	sst s2  }
0x8f: {  	_ = 	snop  }
0x90: {  	(tm) =	ssettm $0x1  }
0x91: {  	s17 =	sld [smem:$0x3FFB];
	_ =	sdelay $0x3  }
0x92: {  	_ =	strace s17  }
0x93: {  	s2 =	sld [smem:$0x3FFC];
	_ =	sdelay $0x3  }
0x94: {  	_ =	strace s2  }
0x95: {  	s2 =	sld [smem:$0x3FFD];
	_ =	sdelay $0x3  }
0x96: {  	_ =	strace s2  }
0x97: {  	_ =	strace $0x8FFFFFFF  }
0x98: {  	s18 =	sld [smem:$0x3FDB];
	_ =	sdelay $0x1  }
0x99: {  	s19 =	simm.s32 $_scs_section_size  }
0x9a: {  	s4 =	simm.s32 $_size__tile_overlayer_lowered;
	s5 =	simm.s32 $_tile_overlayer_lowered  }
0x9b: {  	s22 =	simm.s32 $0x1BFF;
	s21 =	sshll.u32 s5, $0x1;
	s2 =	sadd.s32 s19, s18  }
0x9c: {  	s6 =	simm.s32 $0x0;
	s20 =	sshll.u32 s4, $0x1;
	s4 =	sadd.s32 s21, s2  }
0x9d: {  	[timem:s6], [sflag:s22] =	dma.local [hbm:s4], s20  }
0x9e: {  	_ =	swait.ge [sflag:s22], s20  }
0x9f: {  	s3 =	ssub.s32 $0x0, s20;
	[sflag:s22] =	ssyncset.done $0x0  }
0xa0: {  	[sflag:s22] =	ssyncadd.s32 s3;
	_ =	sdelay $0x1  }
0xa1: {  	s23 =	simm.s32 $0x1B8B  }
0xa2: {  	_ =	swait.ge [sflag:s23], $0x1  }
0xa3: {  	[sflag:s23] =	ssyncset.done $0x0  }
0xa4: {  	s25 =	simm.s32 $0x1B8E;
	s24 =	sld [smem:$0x3FFE];
	[sflag:s23] =	ssyncadd.s32 $0xFFFFFFFF  }
0xa5: {  	s26 =	simm.s32 $execute0_lowered;
	[smem:$0x3FD2] =	sst s25  }
0xa6: {  	s4 =	sshll.u32 s26, $0x1;
	_ =	strace $0x80000046;
	[dreg:$0x1] =	wrdreg $0xFFFFFFFF  }
0xa7: {  	s28 =	simm.s32 $_size_execute0_lowered;
	s2 =	sadd.s32 s2, s4;
	[dreg:$0x0] =	wrdreg $0x0  }
0xa8: {  	s4 =	sshll.u32 s28, $0x1;
	[dreg:$0x2] =	wrdreg s2  }
0xa9: {  	[dreg:$0x3] =	wrdreg s4  }
0xaa: {  	[dreg:$0x4] =	wrdreg $0xC0  }
0xab: {  	_ =	task [dreg:s6], $0x5FFFF  }
0xac: {  	[dreg:$0x1] =	wrdreg $0xFFFFFFFF  }
0xad: {  	[dreg:$0x0] =	wrdreg $0x60  }
0xae: {  	[dreg:$0x2] =	wrdreg s24  }
0xaf: {  	[dreg:$0x3] =	wrdreg $0x9  }
0xb0: {  	_ =	task.clear_ibuf [dreg:s6], $0x4FFFF;
	_ =	strace $0x90000046  }
0xb1: {  	s29 =	simm.s32 $0x9;
	_ =	strace $0x80000048  }
0xb2: {  	_ =	swait.ge [sflag:s29], $0x1  }
0xb3: {  	[sflag:s29] =	ssyncadd.s32 $0xFFFFFFFF  }
0xb4: {  	_ =	strace $0x90000048  }
0xb5: {  	_ =	sfence  }
0xb6: {  	s30 =	sld [smem:$0x0];
	_ =	sdelay $0x2  }
0xb7: {  	s31 =	sshll.u32 s1, $0xD;
	s1 =	sshrl.u32 s1, $0x2  }
0xb8: {  	s3 =	sand.u32 $0x4000, s31;
	s1 =	sadd.s32 s1, s30  }
0xb9: {  	s0 =	sor.u32 s3, s0;
	s1 =	sshll.u32 s1, $0x11  }
0xba: {  	s0 =	sor.u32 s1, s0  }
0xbb: {  	s0 =	sadd.s32 $0x8F2B, s0  }
0xbc: {  	[sflag:s0] =	ssyncadd.remote.s32 $0x1  }
0xbd: {  	_ =	sfence.sel $0xFFFF  }
0xbe: {  	[dreg:$0x0] =	wrdreg $0xFFFFFFFF;
	(pc) =	sbr.abs _section_cstart, $3  }
0xbf: {  	[dreg:$0x1] =	wrdreg $0xFFFFFFFF  }
0xc0: {  	_ =	task.clear_ibuf [dreg:s6], $0x2FFFF;
	_ =	strace $0x9FFFFFFF  }
0xc1: {  	(tm) =	ssettm $0x7FFFFFFF  }
tec
execute0_lowered:
.L_overlay_start_1:
0x0: {  	(tag) =	ssettag $0x1  }
0x1: {  	s0 =	srdreg.scid  }
0x2: {  	s4 =	sand.u32 $0x1, s0  }
0x3: {  	s0 =	stileid.u32;
	s1 =	sshll.u32 s4, $0x4  }
0x4: {  	s30 =	sand.u32 $0x7, s0;
	s5 =	sor.u32 s0, s1  }
0x5: {  	s7 =	rddreg [dreg:$0x0];
	p1 =	sne.s32 s30, $0x0;
	p0 =	seq.s32 s5, $0x0  }
0x6: {  	s12 =	simm.s32 $0x0;
	s10 =	sshll.u32 s0, $0x4;
	p0 =	por !p1, !p0  }
0x7: {  	s4 =	ssub.s32 $0x2, s4;
	s1 =	simm.s32 $0x1;
	p0 =	por !p0, !p0  }
0x8: {  	s10 =	sand.u32 $0x70, s10;
	s2 =	sshrl.u32 s5, $0x3;
	s1 =	simm.s32 @!p0 $0x0  }
0x9: {  	s9 =	smul.u32 $0x753, s5;
	s5 =	sshll.u32 s5, $0x4;
	s6 =	ssub.s32 s2, s1  }
0xa: {  	s31 =	sshrl.u32 s4, $0x1;
	s5 =	sand.u32 $0x180, s5;
	s1 =	sshrl.u32 s6, $0x2  }
0xb: {  	s2 =	simm.s32 $0x0;
	s8 =	sshll.u32 s6, $0x7;
	s3 =	smul.u32 $0x3AA00, s1  }
0xc: {  	[smem:$0x7FF] =	sst s2;
	s11 =	smul.u32 $0xEA60, s6;
	s8 =	sand.u32 $0x180, s8  }
0xd: {  	s9 =	sadd.s32 s9, s7;
	s1 =	rddreg [dreg:$0x1];
	s8 =	sor.u32 s8, s3  }
0xe: {  	_ =	strace $0x80000047;
	v0 =	vmov s11;
	s11 =	simm.s32 $0x12580;
	s8 =	sshrl.u32 s8, $0x3  }
0xf: {  	s3 =	simm.s32 $0x1;
	s8 =	sadd.s32 s8, s7;
	s7 =	sadd.s32 s10, s7  }
0x10: {  	s10 =	ssub.s32 s4, s31;
	s4 =	sadd.s32 $0x271800, s9;
	s9 =	simm.s32 $0x200  }
0x11: {  	s7 =	sadd.s32 s5, s7;
	s5 =	sadd.s32 $0x139000, s8;
	s8 =	simm.s32 $0x80  }
0x12: {  	v1 =	vlaneseq.u32;
	s6 =	sadd.s32 $0x140600, s7;
	s7 =	smax.u32 s10, $0x1;
	s10 =	simm.s32 $0xEA80  }
.LBB2_1:
0x13: {  	v2 =	vor.u32 s2, v1;
	[tilespmem:s2], [sflag:$0x1] =	stream.strided.gather [hbm4b:s5+s8], $0xEA80, s9, s8, $0x38;
	[tilespmem:$0x12600] =	vst v63  }
0x14: {  	v3 =	vmul.u32 $0x3, v2;
	_ =	swait.ge [sflag:s3], $0xEA80  }
0x15: {  	vm0 =	vlt.u32 v2, $0x1388;
	[sflag:s3] =	ssyncset.done $0x0  }
0x16: {  	v2 =	vnsel vm0, $0x0, v3;
	[sflag:s3] =	ssyncadd.s32 $0xFFFF1580  }
0x17: {  	v3 =	vadd.s32 $0x1, v2;
	[tilespmem:s10], [sflag:$0x1] =	stream.linear.gather [hbm4b:s4+s2], $0x3A98, $0x38;
	[tilespmem:$0x12600] =	vst v63  }
0x18: {  	_ =	swait.ge [sflag:s3], $0x3A98  }
0x19: {  	[sflag:s3] =	ssyncset.done $0x0  }
0x1a: {  	s13 =	simm.s32 $0x10;
	[sflag:s3] =	ssyncadd.s32 $0xFFFFC568  }
0x1b: {  	s30 =	simm.s32 $0x20;
	v5 =	vor.u32 s13, v1;
	v4 =	vadd.s32 $0x2, v2;
	v2 =	vld.idx.msk [tilespmem:v2+s10+$0x0], $0xffff  }
0x1c: {  	v12 =	vor.u32 s30, v1;
	v6 =	vmul.u32 $0x3, v5;
	v3 =	vld.idx.msk [tilespmem:v3+s10+$0x0], $0xffff  }
0x1d: {  	vm1 =	vlt.u32 v5, $0x1388;
	v15 =	vmul.u32 $0x3, v12  }
0x1e: {  	vm2 =	vlt.u32 v12, $0x1388;
	v5 =	vnsel vm1, $0x0, v6  }
0x1f: {  	v12 =	vnsel vm2, $0x0, v15  }
0x20: {  	v6 =	vadd.s32 $0x1, v5;
	v2 =	vmul.u32 $0x3, v2  }
0x21: {  	v7 =	vadd.s32 $0x2, v5;
	v3 =	vmul.u32 $0x3, v3  }
0x22: {  	v4 =	vld.idx.msk [tilespmem:v4+s10+$0x0], $0xffff;
	v2 =	vsub.s32 v2, v0  }
0x23: {  	v5 =	vld.idx.msk [tilespmem:v5+s10+$0x0], $0xffff;
	v3 =	vsub.s32 v3, v0  }
0x24: {  	v24 =	vld.idx.msk [tilespmem:v12+s10+$0x0], $0xffff;
	v8 =	vadd.s32 $0x1, v2  }
0x25: {  	v6 =	vld.idx.msk [tilespmem:v6+s10+$0x0], $0xffff;
	v11 =	vadd.s32 $0x2, v2  }
0x26: {  	v7 =	vld.idx.msk [tilespmem:v7+s10+$0x0], $0xffff;
	v9 =	vadd.s32 $0x1, v3  }
0x27: {  	v4 =	vmul.u32 $0x3, v4;
	v10 =	vadd.s32 $0x2, v3;
	v14 =	vld.idx.msk [tilespmem:v2+s2+$0x0], $0xffff  }
0x28: {  	v17 =	vadd.s32 $0x1, v12;
	v13 =	vld.idx.msk [tilespmem:v3+s2+$0x0], $0xffff  }
0x29: {  	vm0 =	vmmov vm0;
	v18 =	vadd.s32 $0x2, v12;
	v4 =	vsub.s32 v4, v0;
	v16 =	vld.idx.msk [tilespmem:v8+s2+$0x0], $0xffff  }
0x2a: {  	vm0 =	vmmov vm0;
	v5 =	vmul.u32 $0x3, v5;
	v3 =	vadd.s32 $0x2, v4;
	v11 =	vld.idx.msk [tilespmem:v11+s2+$0x0], $0xffff  }
0x2b: {  	vm1 =	vmmov vm1;
	vm3 =	vmmov vm0;
	v7 =	vmul.u32 $0x3, v7;
	v9 =	vld.idx.msk [tilespmem:v9+s2+$0x0], $0xffff  }
0x2c: {  	vm1 =	vmmov vm1;
	v20 =	vsub.s32 v5, v0;
	v8 =	vadd.s32 $0x1, v4;
	v15 =	vld.idx.msk [tilespmem:v10+s2+$0x0], $0xffff  }
0x2d: {  	v26 =	vld.idx.msk [tilespmem:v17+s10+$0x0], $0xffff;
	v6 =	vmul.u32 $0x3, v6;
	v5 =	vsub.s32 v7, v0;
	v7 =	vadd.s32 $0x1, v20  }
0x2e: {  	vm0 =	vmmov vm2;
	vm2 =	vmmov vm3;
	v12 =	vld.idx.msk [tilespmem:v18+s10+$0x0], $0xffff;
	v2 =	vimm.f32 $0.0e+00  }
0x2f: {  	v10 =	vadd.s32 $0x2, v20;
	v19 =	vld.idx.msk [tilespmem:v3+s2+$0x0], $0xffff;
	v3 =	vsub.s32 v6, v0;
	v6 =	vadd.s32 $0x2, v5  }
0x30: {  	v21 =	vld.idx.msk [tilespmem:v4+s2+$0x0], $0xffff;
	v17 =	vmul.f32 v13, v16;
	v25 =	vadd.s32 $0x1, v3;
	v4 =	vmul.f32 v9, v14  }
0x31: {  	v22 =	vld.idx.msk [tilespmem:v8+s2+$0x0], $0xffff;
	v23 =	vadd.s32 $0x2, v3;
	v16 =	vmul.f32 v15, v16;
	v9 =	vmul.f32 v9, v11  }
0x32: {  	s31 =	simm.s32 $0x30;
	v7 =	vld.idx.msk [tilespmem:v7+s2+$0x0], $0xffff;
	v8 =	vadd.s32 $0x1, v5;
	v11 =	vmul.f32 v13, v11;
	v13 =	vmul.f32 v15, v14  }
0x33: {  	v14 =	vor.u32 s31, v1;
	v15 =	vsub.f32 v4, v17;
	v4 =	vld.idx.msk [tilespmem:v20+s2+$0x0], $0xffff;
	v16 =	vsub.f32 v16, v9  }
0x34: {  	vm3 =	vlt.u32 v14, $0x1388;
	v18 =	vmul.u32 $0x3, v14;
	v20 =	vsub.f32 v11, v13;
	v3 =	vld.idx.msk [tilespmem:v3+s2+$0x0], $0xffff  }
0x35: {  	v17 =	vmul.u32 $0x3, v24;
	v14 =	vmul.f32 v16, v21;
	v13 =	vmul.f32 v19, v15;
	v9 =	vld.idx.msk [tilespmem:v25+s2+$0x0], $0xffff  }
0x36: {  	s13 =	simm.s32 $0x40;
	v15 =	vnsel vm3, $0x0, v18;
	v18 =	vmul.u32 $0x3, v26;
	v16 =	vmul.f32 v22, v20;
	v11 =	vld.idx.msk [tilespmem:v23+s2+$0x0], $0xffff  }
.LBB2_2:
0x37: {  	v19 =	vadd.s32 $0x1, v15;
	v20 =	vadd.s32 $0x2, v15;
	v12 =	vmul.u32 $0x3, v12  }
0x38: {  	p0 =	sne.s32 s13, $0x1380;
	v21 =	vld.idx.msk [tilespmem:v10+s2+$0x0], $0xffff;
	vm4 =	vmmov vm1;
	vm1 =	vmmov vm0;
	vm0 =	vmmov vm3;
	s14 =	smov.u32 s13;
	s13 =	sadd.s32 $0x10, s13  }
0x39: {  	v17 =	vsub.s32 v17, v0;
	v18 =	vsub.s32 v18, v0;
	v22 =	vld.idx.msk [tilespmem:v6+s2+$0x0], $0xffff;
	v14 =	vadd.f32 v16, v14  }
0x3a: {  	v16 =	vadd.s32 $0x1, v17;
	v10 =	vadd.s32 $0x2, v17;
	v23 =	vld.idx.msk [tilespmem:v5+s2+$0x0], $0xffff;
	v5 =	vsub.s32 v12, v0  }
0x3b: {  	v24 =	vadd.s32 $0x2, v18;
	v6 =	vadd.s32 $0x2, v5;
	v25 =	vld.idx.msk [tilespmem:v8+s2+$0x0], $0xffff;
	v12 =	vadd.f32 v13, v14  }
0x3c: {  	v14 =	vadd.s32 $0x1, v18;
	v13 =	vld.idx.msk [tilespmem:v15+s10+$0x0], $0xffff;
	v15 =	vmul.f32 v9, v4  }
0x3d: {  	v26 =	vmul.f32 v3, v7;
	v8 =	vadd.s32 $0x1, v5;
	v19 =	vld.idx.msk [tilespmem:v19+s10+$0x0], $0xffff;
	v27 =	vnsel vm2, $0x0, v12  }
0x3e: {  	v7 =	vmul.f32 v11, v7;
	v9 =	vmul.f32 v9, v21;
	v12 =	vld.idx.msk [tilespmem:v20+s10+$0x0], $0xffff;
	v2 =	vadd.f32 v27, v2  }
.Ltmp0:
0x3f: {  	v11 =	vmul.f32 v11, v4;
	v20 =	vmul.f32 v3, v21;
	v15 =	vsub.f32 v15, v26;
	v3 =	vld.idx.msk [tilespmem:v18+s2+$0x0], $0xffff;
	(pc) =	sbr.rel @p0 .LBB2_2-.Ltmp0, $4  }
0x40: {  	vm2 =	vmmov vm4;
	v18 =	vor.u32 s14, v1;
	v21 =	vsub.f32 v7, v9;
	v4 =	vld.idx.msk [tilespmem:v17+s2+$0x0], $0xffff  }
0x41: {  	vm3 =	vlt.u32 v18, $0x1388;
	v18 =	vmul.u32 $0x3, v18;
	v7 =	vld.idx.msk [tilespmem:v16+s2+$0x0], $0xffff;
	v16 =	vsub.f32 v20, v11  }
0x42: {  	v17 =	vmul.u32 $0x3, v13;
	v13 =	vmul.f32 v22, v15;
	v9 =	vld.idx.msk [tilespmem:v14+s2+$0x0], $0xffff;
	v14 =	vmul.f32 v21, v23  }
0x43: {  	v15 =	vnsel vm3, $0x0, v18;
	v18 =	vmul.u32 $0x3, v19;
	v11 =	vld.idx.msk [tilespmem:v24+s2+$0x0], $0xffff;
	v16 =	vmul.f32 v25, v16  }
0x44: {  	_ =	sdelay $0x3  }
0x45: {  	v19 =	vadd.s32 $0x1, v15;
	v10 =	vld.idx.msk [tilespmem:v10+s2+$0x0], $0xffff  }
0x46: {  	v20 =	vadd.s32 $0x2, v15;
	v32 =	vld.idx.msk [tilespmem:v15+s10+$0x0], $0xffff  }
0x47: {  	v17 =	vsub.s32 v17, v0;
	v6 =	vld.idx.msk [tilespmem:v6+s2+$0x0], $0xffff  }
0x48: {  	v5 =	vld.idx.msk [tilespmem:v5+s2+$0x0], $0xffff;
	v18 =	vsub.s32 v18, v0  }
0x49: {  	v8 =	vld.idx.msk [tilespmem:v8+s2+$0x0], $0xffff;
	v21 =	vadd.s32 $0x1, v17  }
0x4a: {  	v24 =	vadd.s32 $0x2, v17;
	v19 =	vld.idx.msk [tilespmem:v19+s10+$0x0], $0xffff  }
0x4b: {  	v12 =	vmul.u32 $0x3, v12;
	v22 =	vadd.s32 $0x1, v18;
	v20 =	vld.idx.msk [tilespmem:v20+s10+$0x0], $0xffff  }
0x4c: {  	v23 =	vadd.s32 $0x2, v18;
	v15 =	vmul.u32 $0x3, v32;
	v17 =	vld.idx.msk [tilespmem:v17+s2+$0x0], $0xffff  }
0x4d: {  	v12 =	vsub.s32 v12, v0;
	v18 =	vld.idx.msk [tilespmem:v18+s2+$0x0], $0xffff  }
0x4e: {  	v33 =	vld.idx.msk [tilespmem:v21+s2+$0x0], $0xffff;
	v15 =	vsub.s32 v15, v0  }
0x4f: {  	vm4 =	vmmov vm1;
	v24 =	vld.idx.msk [tilespmem:v24+s2+$0x0], $0xffff;
	v35 =	vadd.s32 $0x1, v15;
	v19 =	vmul.u32 $0x3, v19  }
0x50: {  	vm13 =	vmmov vm0;
	vm14 =	vmmov vm3;
	v34 =	vld.idx.msk [tilespmem:v22+s2+$0x0], $0xffff;
	v28 =	vadd.s32 $0x2, v15  }
0x51: {  	v26 =	vmul.f32 v3, v7;
	v25 =	vmul.f32 v9, v4;
	v36 =	vld.idx.msk [tilespmem:v23+s2+$0x0], $0xffff;
	v19 =	vsub.s32 v19, v0  }
0x52: {  	v43 =	vadd.s32 $0x1, v12;
	v38 =	vmul.f32 v11, v7;
	v29 =	vld.idx.msk [tilespmem:v12+s2+$0x0], $0xffff;
	v27 =	vadd.s32 $0x2, v19  }
0x53: {  	v40 =	vmul.f32 v11, v4;
	v39 =	vmul.f32 v9, v10;
	v52 =	vld.idx.msk [tilespmem:v15+s2+$0x0], $0xffff;
	v37 =	vadd.s32 $0x1, v19  }
0x54: {  	v3 =	vmul.f32 v3, v10;
	v41 =	vsub.f32 v25, v26;
	v44 =	vmul.u32 $0x3, v20;
	v45 =	vld.idx.msk [tilespmem:v35+s2+$0x0], $0xffff  }
0x55: {  	v14 =	vadd.f32 v16, v14;
	v7 =	vsub.f32 v38, v39;
	v12 =	vadd.s32 $0x2, v12;
	v51 =	vld.idx.msk [tilespmem:v28+s2+$0x0], $0xffff  }
0x56: {  	v3 =	vsub.f32 v3, v40;
	v6 =	vmul.f32 v6, v41;
	v47 =	vsub.s32 v44, v0;
	v42 =	vld.idx.msk [tilespmem:v19+s2+$0x0], $0xffff  }
0x57: {  	v49 =	vmul.f32 v36, v33;
	v50 =	vmul.f32 v34, v24;
	v19 =	vadd.s32 $0x1, v47;
	v48 =	vld.idx.msk [tilespmem:v27+s2+$0x0], $0xffff  }
0x58: {  	v13 =	vadd.f32 v13, v14;
	v5 =	vmul.f32 v7, v5;
	v3 =	vmul.f32 v8, v3;
	v46 =	vld.idx.msk [tilespmem:v37+s2+$0x0], $0xffff  }
0x59: {  	v9 =	vld.idx.msk [tilespmem:v43+s2+$0x0], $0xffff;
	v54 =	vmul.f32 v18, v24;
	v53 =	vadd.s32 $0x2, v47;
	v22 =	vsub.f32 v49, v50  }
0x5a: {  	vm15 =	vmmov vm4;
	v16 =	vmul.f32 v18, v33;
	v12 =	vld.idx.msk [tilespmem:v12+s2+$0x0], $0xffff;
	v14 =	vmul.f32 v36, v17  }
0x5b: {  	v13 =	vnsel vm2, $0x0, v13;
	v21 =	vmul.f32 v34, v17;
	v55 =	vmul.f32 v22, v29;
	v7 =	vld.idx.msk [tilespmem:v47+s2+$0x0], $0xffff  }
0x5c: {  	v14 =	vsub.f32 v54, v14;
	v56 =	vld.idx.msk [tilespmem:v19+s2+$0x0], $0xffff;
	v59 =	vmul.f32 v42, v51;
	v57 =	vmul.f32 v48, v45  }
0x5d: {  	v3 =	vadd.f32 v3, v5;
	v58 =	vmul.f32 v46, v51;
	v10 =	vmul.f32 v48, v52  }
0x5e: {  	v16 =	vsub.f32 v21, v16;
	v9 =	vmul.f32 v9, v14;
	v60 =	vld.idx.msk [tilespmem:v53+s2+$0x0], $0xffff;
	v61 =	vmul.f32 v42, v45  }
0x5f: {  	v4 =	vmul.f32 v46, v52;
	v62 =	vsub.f32 v57, v58;
	v5 =	vsub.f32 v59, v10  }
0x60: {  	v3 =	vadd.f32 v6, v3;
	v63 =	vmul.f32 v12, v16;
	v9 =	vadd.f32 v9, v55  }
0x61: {  	v4 =	vsub.f32 v4, v61;
	v7 =	vmul.f32 v62, v7;
	v5 =	vmul.f32 v56, v5  }
0x62: {  	vm1 =	vmmov vm13;
	v2 =	vadd.f32 v13, v2;
	v3 =	vnsel vm15, $0x0, v3  }
0x63: {  	v6 =	vadd.f32 v63, v9;
	v4 =	vmul.f32 v60, v4;
	v5 =	vadd.f32 v5, v7  }
0x64: {  	vm0 =	vmmov vm14;
	vm1 =	vmmov vm1;
	v2 =	vadd.f32 v3, v2  }
0x65: {  	vm0 =	vmmov vm0;
	v3 =	vnsel vm1, $0x0, v6;
	v4 =	vadd.f32 v4, v5  }
0x66: {  	vm0 =	vmmov vm0;
	v2 =	vadd.f32 v3, v2  }
0x67: {  	v3 =	vnsel vm0, $0x0, v4  }
0x68: {  	v2 =	vadd.f32 v3, v2;
	_ =	sdelay $0x1  }
0x69: {  	s12 =	sadd.s32 $0x1, s12;
	v2 =	vmul.f32 $1.666666720e-01, v2  }
0x6a: {  	p0 =	sne.s32 s12, s7  }
.Ltmp1:
0x6b: {  	[tilespmem:$0x12580] =	vst v2;
	(pc) =	sbr.rel @p0 .LBB2_1-.Ltmp1, $4  }
0x6c: {  	[hbm4b:s6+s2] =	stream.linear.scatter [tilespmem:s11], [sflag:$0x1], $0x80, $0x38;
	[tilespmem:$0x12600] =	vst v63  }
0x6d: {  	_ =	swait.ge [sflag:s3], $0x80  }
0x6e: {  	[sflag:s3] =	ssyncset.done $0x0  }
0x6f: {  	[sflag:s3] =	ssyncadd.s32 $0xFFFFFF80  }
0x70: {  	_ =	sfence.sel $0x180000  }
0x71: {  	[bflag:$0x0] =	sbarrier.arrive $0xFFFF  }
0x72: {  	p0 =	sne.s32 s0, $0x0;
	_ =	strace $0x90000047  }
0x73: {  	s0 =	sadd.s32 @!p0 $0x100000, s1;
	[bflag:$0x2] =	sbarrier.arrive $0xFFFF  }
0x74: {  	[sflag:s0] =	ssyncadd.tile.s32 @!p0 $0x1;
	_ =	shalt  }
.Lfunc_end2:
_tile_overlayer_lowered:
.L_overlay_start_2:
0x75: {  	(tag) =	ssettag $0x2  }
0x76: {  	s0 =	rddreg [dreg:$0x0];
	s2 =	stileid.u32  }
0x77: {  	s1 =	rddreg [dreg:$0x1];
	p0 =	sne.s32 s2, $0x0  }
0x78: {  	s3 =	rddreg [dreg:$0x2];
	[bflag:$0x3] =	sbarrier.arrive $0xFFFF;
	s2 =	simm.s32 @!p0 $0x1C01  }
0x79: {  	[timem:s3], [sflag:s2] =	dma.local @!p0 [hbm:s0], s1  }
0x7a: {  	s0 =	simm.s32 @!p0 $0x1  }
0x7b: {  	_ =	swait.ge @!p0 [sflag:s0], s1  }
0x7c: {  	s1 =	ssub.s32 @!p0 $0x0, s1;
	[sflag:s0] =	ssyncset.done @!p0 $0x0  }
0x7d: {  	[sflag:s0] =	ssyncadd.s32 @!p0 s1  }
0x7e: {  	[bflag:$0x3] =	sbarrier.arrive $0xFFFF  }
0x7f: {  	_ =	shalt  }

</sc_bundles>
